<compile_context>
chip_gen: v7x
topology: tpu7x:2x2x1
jax: 0.10.2.dev20260603
libtpu: 0.0.44.dev20260713+nightly
codegen_flags: <defaults>
</compile_context>

<pallas_src>
import functools

import jax
import jax.numpy as jnp
from jax import lax
from jax.experimental import pallas as pl
from jax.experimental.pallas import tpu as pltpu
from jax.experimental.pallas import tpu_sc as plsc

B = 4096
H = 128
SEQ = 200
S = SEQ + 2

NC = 2
NS = 16
NW = NC * NS
BPW = (2 * B) // NW
CH = BPW // 128
CW = BPW // CH
LANES = 16

_mesh = plsc.VectorSubcoreMesh(
    core_axis_name="c", subcore_axis_name="s", num_cores=NC
)


@functools.partial(
    pl.kernel,
    out_type=jax.ShapeDtypeStruct((2 * B, H), jnp.float32),
    mesh=_mesh,
    scratch_types=[
        pltpu.VMEM((BPW,), jnp.int32),
        pltpu.VMEM((CH, CW), jnp.int32),
        pltpu.VMEM((BPW, H), jnp.float32),
        pltpu.SemaphoreType.DMA,
        pltpu.SemaphoreType.DMA,
    ],
)
def _stack_gather(stack_hbm, pos_hbm, out_hbm, pos_v, idx_v, rows_v, gsem, wsem):
    wid = lax.axis_index("s") * NC + lax.axis_index("c")
    nwh = NW // 2
    b0 = (wid % nwh) * BPW
    jf = wid // nwh

    pltpu.sync_copy(pos_hbm.at[pl.ds(b0, BPW)], pos_v)

    tpc = CW // LANES
    gathers = []
    for k in range(CH):
        for u in range(tpc):
            t = k * tpc + u
            p = pos_v[pl.ds(t * LANES, LANES)]
            blane = b0 + t * LANES + lax.iota(jnp.int32, LANES)
            pm = p - 1
            pm = jnp.where(pm < 0, pm + S, pm)
            row = pm + (p - pm) * jf
            idx_v[k, pl.ds(u * LANES, LANES)] = row * B + blane
        gathers.append(
            pltpu.async_copy(
                stack_hbm.at[idx_v.at[k]],
                rows_v.at[pl.ds(k * CW, CW)],
                gsem,
            )
        )

    writes = []
    for k in range(CH):
        gathers[k].wait()
        writes.append(
            pltpu.async_copy(
                rows_v.at[pl.ds(k * CW, CW)],
                out_hbm.at[pl.ds(wid * BPW + k * CW, CW)],
                wsem,
            )
        )
    for w in writes:
        w.wait()


def kernel(input, op, hidden_stack, pos):
    del input, op
    stack_flat = hidden_stack.reshape(S * B, H)
    out = _stack_gather(stack_flat, pos)
    return out.reshape(2, B, H)

# --- scband reference (transcript-rebuilt; emitter-appended) ---
"""Pipeline reference for scband-state-stack-32581621908206 (READ-ONLY COPY).

The authoritative reference and input builder live on the scoring server;
editing this copy changes nothing except your own understanding.
"""

import jax, jax.numpy as jnp
import numpy as np

B = 4096
H = 128
SEQ = 200
S = SEQ + 2  # seq_len + 2 slots, matching StateStack.build_stack


def setup_inputs(seed: int = 0) -> dict:
    key = jax.random.key(seed)
    k1, k2, k3, k4 = jax.random.split(key, 4)
    inp = {}
    # forward args
    inp["input"] = jax.random.normal(k1, (B, H), dtype=jnp.float32)
    inp["op"] = jax.random.randint(k2, (B,), 0, 2, dtype=jnp.int32)  # 0=hold, 1=push
    # stack state (built by build_stack in the torch module)
    inp["hidden_stack"] = jax.random.normal(k3, (S, B, H), dtype=jnp.float32)
    inp["pos"] = jax.random.randint(k4, (B,), 0, SEQ, dtype=jnp.int32)
    return inp


def reference(input, op, hidden_stack, pos):
    # Faithful translation of StateStack.forward
    batch_size = input.shape[0]
    S_ = hidden_stack.shape[0]
    batch_indexes = jnp.arange(batch_size, dtype=jnp.int32)
    # self.hidden_stack[self.pos + 1, batch_indexes, :] = input  (scatter-overwrite)
    stack = hidden_stack.at[pos + 1, batch_indexes, :].set(input)
    # possible_pos = stack([pos - 1, pos]); torch wraps negative indices -> emulate with mod
    possible_pos = jnp.stack([jnp.mod(pos - 1, S_), pos], axis=0)  # (2, B)
    bidx2 = jnp.broadcast_to(batch_indexes[None, :], (2, batch_size))
    hidden_ret = stack[possible_pos, bidx2, :]  # (2, B, H) gather
    # self.pos = self.pos + op  (state update; does not affect returned value)
    _new_pos = pos + op
    return hidden_ret

if __name__ == "__main__":
    import jax
    _d = setup_inputs()
    print(jax.jit(kernel)(*tuple(_d.values())))

</pallas_src>

<mosaic_0001>
#map = affine_map<(d0, d1) -> (0, 0)>
#map1 = affine_map<(d0, d1) -> (0)>
module attributes {stable_mosaic.version = 14 : i64} {
  func.func @_stack_gather(%arg0: i32, %arg1: i32, %arg2: memref<827392x128xf32, #tpu.memory_space<hbm>>, %arg3: memref<4096xi32, #tpu.memory_space<hbm>>, %arg4: memref<8192x128xf32, #tpu.memory_space<hbm>>, %arg5: memref<256xi32, #tpu.memory_space<vmem>>, %arg6: memref<2x128xi32, #tpu.memory_space<vmem>>, %arg7: memref<256x128xf32, #tpu.memory_space<vmem>>, %arg8: memref<!tpu.dma_semaphore, #tpu.memory_space<semaphore_mem>>, %arg9: memref<!tpu.dma_semaphore, #tpu.memory_space<semaphore_mem>>) attributes {dimension_semantics = [#tpu.dimension_semantics<core_parallel>, #tpu.dimension_semantics<subcore_parallel>], iteration_bounds = array<i64: 2, 16>, scalar_prefetch = 0 : i64, scratch_operands = 5 : i64, tpu.core_type = #tpu.core_type<sc_vector_subcore>, window_params = [{transform_indices = #map}, {transform_indices = #map1}, {transform_indices = #map}]} {
    %mul3A = arith.constant 2 : i32
    %mul3A_0 = arith.muli %arg1, %mul3A : i32
    %add3A = arith.addi %mul3A_0, %arg0 : i32
    %jit3A = arith.constant 16 : i32
    %eq3A = arith.constant 0 : i32
    %eq3A_1 = arith.cmpi eq, %jit3A, %eq3A : i32
    %jit3A_2 = arith.constant 1 : i32
    %select_n3A = arith.select %eq3A_1, %jit3A_2, %jit3A : i32
    %rem3A = arith.remsi %add3A, %select_n3A : i32
    %ne3A = arith.constant 0 : i32
    %ne3A_3 = arith.cmpi ne, %rem3A, %ne3A : i32
    %lt3A = arith.constant 0 : i32
    %lt3A_4 = arith.cmpi slt, %rem3A, %lt3A : i32
    %lt3A_5 = arith.constant 0 : i32
    %lt3A_6 = arith.cmpi slt, %select_n3A, %lt3A_5 : i32
    %ne3A_7 = arith.xori %lt3A_4, %lt3A_6 : i1
    %and3A = arith.andi %ne3A_7, %ne3A_3 : i1
    %add3A_8 = arith.addi %rem3A, %select_n3A : i32
    %select_n3A_9 = arith.select %and3A, %add3A_8, %rem3A : i32
    %mul3A_10 = arith.constant 256 : i32
    %mul3A_11 = arith.muli %select_n3A_9, %mul3A_10 : i32
    %jit3A_12 = arith.constant 16 : i32
    %div3A = arith.divsi %add3A, %jit3A_12 : i32
    %sign3A = arith.constant 0 : i32
    %sign3A_13 = arith.cmpi sgt, %add3A, %sign3A : i32
    %sign3A_14 = arith.extui %sign3A_13 : i1 to i32
    %sign3A_15 = arith.constant 0 : i32
    %sign3A_16 = arith.cmpi slt, %add3A, %sign3A_15 : i32
    %sign3A_17 = arith.extui %sign3A_16 : i1 to i32
    %sign3A_18 = arith.subi %sign3A_14, %sign3A_17 : i32
    %sign3A_19 = arith.constant 0 : i32
    %sign3A_20 = arith.cmpi sgt, %jit3A_12, %sign3A_19 : i32
    %sign3A_21 = arith.extui %sign3A_20 : i1 to i32
    %sign3A_22 = arith.constant 0 : i32
    %sign3A_23 = arith.cmpi slt, %jit3A_12, %sign3A_22 : i32
    %sign3A_24 = arith.extui %sign3A_23 : i1 to i32
    %sign3A_25 = arith.subi %sign3A_21, %sign3A_24 : i32
    %ne3A_26 = arith.cmpi ne, %sign3A_18, %sign3A_25 : i32
    %rem3A_27 = arith.remsi %add3A, %jit3A_12 : i32
    %ne3A_28 = arith.constant 0 : i32
    %ne3A_29 = arith.cmpi ne, %rem3A_27, %ne3A_28 : i32
    %and3A_30 = arith.andi %ne3A_26, %ne3A_29 : i1
    %sub3A = arith.constant 1 : i32
    %sub3A_31 = arith.subi %div3A, %sub3A : i32
    %select_n3A_32 = arith.select %and3A_30, %sub3A_31, %div3A : i32
    "tpu.region"() ({
      %run_scoped3A = tpu.sem_alloc : memref<!tpu.dma_semaphore, #tpu.memory_space<semaphore_mem>>
      %dma_start3A_628 = tpu.memref_slice %arg3[%mul3A_11] : memref<4096xi32, #tpu.memory_space<hbm>> -> memref<256xi32, #tpu.memory_space<hbm>>
      %dma_start3A_629 = tpu.memref_slice %arg3[%mul3A_11] : memref<4096xi32, #tpu.memory_space<hbm>> -> memref<256xi32, #tpu.memory_space<hbm>>
      tpu.enqueue_dma source(%dma_start3A_629 : memref<256xi32, #tpu.memory_space<hbm>>) target(%arg5 : memref<256xi32, #tpu.memory_space<vmem>>) target_semaphore(%run_scoped3A : memref<!tpu.dma_semaphore, #tpu.memory_space<semaphore_mem>>)
      %dma_wait3A_630 = tpu.memref_slice %arg3[%mul3A_11] : memref<4096xi32, #tpu.memory_space<hbm>> -> memref<256xi32, #tpu.memory_space<hbm>>
      %dma_wait3A_631 = tpu.memref_slice %arg3[%mul3A_11] : memref<4096xi32, #tpu.memory_space<hbm>> -> memref<256xi32, #tpu.memory_space<hbm>>
      tpu.wait_dma2 semaphore(%run_scoped3A : memref<!tpu.dma_semaphore, #tpu.memory_space<semaphore_mem>>) src(%dma_wait3A_631 : memref<256xi32, #tpu.memory_space<hbm>>) dst(%arg5 : memref<256xi32, #tpu.memory_space<vmem>>)
      tpu.yield
    }) : () -> ()
    %get3A = arith.constant 0 : index
    %get3A_33 = tpu.vector_load %arg5[%get3A] {strides = array<i32>} : memref<256xi32, #tpu.memory_space<vmem>>, vector<16xi32>,
    %get3A_34 = vector.shape_cast %get3A_33 : vector<16xi32> to vector<16xi32>
    %add3A_35 = arith.constant 0 : i32
    %add3A_36 = arith.addi %mul3A_11, %add3A_35 : i32
    %iota3A = tpu.iota {dimensions = array<i32: 0>} : vector<16xi32>
    %add3A_37 = vector.broadcast %add3A_36 : i32 to vector<16xi32>
    %add3A_38 = arith.addi %add3A_37, %iota3A : vector<16xi32>
    %sub3A_39 = arith.constant 1 : i32
    %sub3A_40 = vector.broadcast %sub3A_39 : i32 to vector<16xi32>
    %sub3A_41 = arith.subi %get3A_34, %sub3A_40 : vector<16xi32>
    %lt3A_42 = arith.constant 0 : i32
    %lt3A_43 = vector.broadcast %lt3A_42 : i32 to vector<16xi32>
    %lt3A_44 = arith.cmpi slt, %sub3A_41, %lt3A_43 : vector<16xi32>
    %add3A_45 = arith.constant 202 : i32
    %add3A_46 = vector.broadcast %add3A_45 : i32 to vector<16xi32>
    %add3A_47 = arith.addi %sub3A_41, %add3A_46 : vector<16xi32>
    %select_n3A_48 = arith.select %lt3A_44, %add3A_47, %sub3A_41 : vector<16xi1>, vector<16xi32>
    %sub3A_49 = arith.subi %get3A_34, %select_n3A_48 : vector<16xi32>
    %mul3A_50 = vector.broadcast %select_n3A_32 : i32 to vector<16xi32>
    %mul3A_51 = arith.muli %sub3A_49, %mul3A_50 : vector<16xi32>
    %add3A_52 = arith.addi %select_n3A_48, %mul3A_51 : vector<16xi32>
    %mul3A_53 = arith.constant 4096 : i32
    %mul3A_54 = vector.broadcast %mul3A_53 : i32 to vector<16xi32>
    %mul3A_55 = arith.muli %add3A_52, %mul3A_54 : vector<16xi32>
    %add3A_56 = arith.addi %mul3A_55, %add3A_38 : vector<16xi32>
    %swap3A = arith.constant 0 : i32
    %swap3A_57 = arith.index_cast %swap3A : i32 to index
    %swap3A_58 = arith.constant 0 : index
    %swap3A_59 = tpu.vector_load %arg6[%swap3A_57, %swap3A_58] {strides = array<i32>} : memref<2x128xi32, #tpu.memory_space<vmem>>, vector<1x16xi32>,
    %swap3A_60 = vector.shape_cast %swap3A_59 : vector<1x16xi32> to vector<16xi32>
    %swap3A_61 = vector.shape_cast %add3A_56 : vector<16xi32> to vector<1x16xi32>
    tpu.vector_store %arg6[%swap3A_57, %swap3A_58], %swap3A_61 {strides = array<i32>} : memref<2x128xi32, #tpu.memory_space<vmem>>, vector<1x16xi32>,
    %get3A_62 = arith.constant 16 : index
    %get3A_63 = tpu.vector_load %arg5[%get3A_62] {strides = array<i32>} : memref<256xi32, #tpu.memory_space<vmem>>, vector<16xi32>,
    %get3A_64 = vector.shape_cast %get3A_63 : vector<16xi32> to vector<16xi32>
    %add3A_65 = arith.constant 16 : i32
    %add3A_66 = arith.addi %mul3A_11, %add3A_65 : i32
    %iota3A_67 = tpu.iota {dimensions = array<i32: 0>} : vector<16xi32>
    %add3A_68 = vector.broadcast %add3A_66 : i32 to vector<16xi32>
    %add3A_69 = arith.addi %add3A_68, %iota3A_67 : vector<16xi32>
    %sub3A_70 = arith.constant 1 : i32
    %sub3A_71 = vector.broadcast %sub3A_70 : i32 to vector<16xi32>
    %sub3A_72 = arith.subi %get3A_64, %sub3A_71 : vector<16xi32>
    %lt3A_73 = arith.constant 0 : i32
    %lt3A_74 = vector.broadcast %lt3A_73 : i32 to vector<16xi32>
    %lt3A_75 = arith.cmpi slt, %sub3A_72, %lt3A_74 : vector<16xi32>
    %add3A_76 = arith.constant 202 : i32
    %add3A_77 = vector.broadcast %add3A_76 : i32 to vector<16xi32>
    %add3A_78 = arith.addi %sub3A_72, %add3A_77 : vector<16xi32>
    %select_n3A_79 = arith.select %lt3A_75, %add3A_78, %sub3A_72 : vector<16xi1>, vector<16xi32>
    %sub3A_80 = arith.subi %get3A_64, %select_n3A_79 : vector<16xi32>
    %mul3A_81 = vector.broadcast %select_n3A_32 : i32 to vector<16xi32>
    %mul3A_82 = arith.muli %sub3A_80, %mul3A_81 : vector<16xi32>
    %add3A_83 = arith.addi %select_n3A_79, %mul3A_82 : vector<16xi32>
    %mul3A_84 = arith.constant 4096 : i32
    %mul3A_85 = vector.broadcast %mul3A_84 : i32 to vector<16xi32>
    %mul3A_86 = arith.muli %add3A_83, %mul3A_85 : vector<16xi32>
    %add3A_87 = arith.addi %mul3A_86, %add3A_69 : vector<16xi32>
    %swap3A_88 = arith.constant 0 : i32
    %swap3A_89 = arith.index_cast %swap3A_88 : i32 to index
    %swap3A_90 = arith.constant 16 : index
    %swap3A_91 = tpu.vector_load %arg6[%swap3A_89, %swap3A_90] {strides = array<i32>} : memref<2x128xi32, #tpu.memory_space<vmem>>, vector<1x16xi32>,
    %swap3A_92 = vector.shape_cast %swap3A_91 : vector<1x16xi32> to vector<16xi32>
    %swap3A_93 = vector.shape_cast %add3A_87 : vector<16xi32> to vector<1x16xi32>
    tpu.vector_store %arg6[%swap3A_89, %swap3A_90], %swap3A_93 {strides = array<i32>} : memref<2x128xi32, #tpu.memory_space<vmem>>, vector<1x16xi32>,
    %get3A_94 = arith.constant 32 : index
    %get3A_95 = tpu.vector_load %arg5[%get3A_94] {strides = array<i32>} : memref<256xi32, #tpu.memory_space<vmem>>, vector<16xi32>,
    %get3A_96 = vector.shape_cast %get3A_95 : vector<16xi32> to vector<16xi32>
    %add3A_97 = arith.constant 32 : i32
    %add3A_98 = arith.addi %mul3A_11, %add3A_97 : i32
    %iota3A_99 = tpu.iota {dimensions = array<i32: 0>} : vector<16xi32>
    %add3A_100 = vector.broadcast %add3A_98 : i32 to vector<16xi32>
    %add3A_101 = arith.addi %add3A_100, %iota3A_99 : vector<16xi32>
    %sub3A_102 = arith.constant 1 : i32
    %sub3A_103 = vector.broadcast %sub3A_102 : i32 to vector<16xi32>
    %sub3A_104 = arith.subi %get3A_96, %sub3A_103 : vector<16xi32>
    %lt3A_105 = arith.constant 0 : i32
    %lt3A_106 = vector.broadcast %lt3A_105 : i32 to vector<16xi32>
    %lt3A_107 = arith.cmpi slt, %sub3A_104, %lt3A_106 : vector<16xi32>
    %add3A_108 = arith.constant 202 : i32
    %add3A_109 = vector.broadcast %add3A_108 : i32 to vector<16xi32>
    %add3A_110 = arith.addi %sub3A_104, %add3A_109 : vector<16xi32>
    %select_n3A_111 = arith.select %lt3A_107, %add3A_110, %sub3A_104 : vector<16xi1>, vector<16xi32>
    %sub3A_112 = arith.subi %get3A_96, %select_n3A_111 : vector<16xi32>
    %mul3A_113 = vector.broadcast %select_n3A_32 : i32 to vector<16xi32>
    %mul3A_114 = arith.muli %sub3A_112, %mul3A_113 : vector<16xi32>
    %add3A_115 = arith.addi %select_n3A_111, %mul3A_114 : vector<16xi32>
    %mul3A_116 = arith.constant 4096 : i32
    %mul3A_117 = vector.broadcast %mul3A_116 : i32 to vector<16xi32>
    %mul3A_118 = arith.muli %add3A_115, %mul3A_117 : vector<16xi32>
    %add3A_119 = arith.addi %mul3A_118, %add3A_101 : vector<16xi32>
    %swap3A_120 = arith.constant 0 : i32
    %swap3A_121 = arith.index_cast %swap3A_120 : i32 to index
    %swap3A_122 = arith.constant 32 : index
    %swap3A_123 = tpu.vector_load %arg6[%swap3A_121, %swap3A_122] {strides = array<i32>} : memref<2x128xi32, #tpu.memory_space<vmem>>, vector<1x16xi32>,
    %swap3A_124 = vector.shape_cast %swap3A_123 : vector<1x16xi32> to vector<16xi32>
    %swap3A_125 = vector.shape_cast %add3A_119 : vector<16xi32> to vector<1x16xi32>
    tpu.vector_store %arg6[%swap3A_121, %swap3A_122], %swap3A_125 {strides = array<i32>} : memref<2x128xi32, #tpu.memory_space<vmem>>, vector<1x16xi32>,
    %get3A_126 = arith.constant 48 : index
    %get3A_127 = tpu.vector_load %arg5[%get3A_126] {strides = array<i32>} : memref<256xi32, #tpu.memory_space<vmem>>, vector<16xi32>,
    %get3A_128 = vector.shape_cast %get3A_127 : vector<16xi32> to vector<16xi32>
    %add3A_129 = arith.constant 48 : i32
    %add3A_130 = arith.addi %mul3A_11, %add3A_129 : i32
    %iota3A_131 = tpu.iota {dimensions = array<i32: 0>} : vector<16xi32>
    %add3A_132 = vector.broadcast %add3A_130 : i32 to vector<16xi32>
    %add3A_133 = arith.addi %add3A_132, %iota3A_131 : vector<16xi32>
    %sub3A_134 = arith.constant 1 : i32
    %sub3A_135 = vector.broadcast %sub3A_134 : i32 to vector<16xi32>
    %sub3A_136 = arith.subi %get3A_128, %sub3A_135 : vector<16xi32>
    %lt3A_137 = arith.constant 0 : i32
    %lt3A_138 = vector.broadcast %lt3A_137 : i32 to vector<16xi32>
    %lt3A_139 = arith.cmpi slt, %sub3A_136, %lt3A_138 : vector<16xi32>
    %add3A_140 = arith.constant 202 : i32
    %add3A_141 = vector.broadcast %add3A_140 : i32 to vector<16xi32>
    %add3A_142 = arith.addi %sub3A_136, %add3A_141 : vector<16xi32>
    %select_n3A_143 = arith.select %lt3A_139, %add3A_142, %sub3A_136 : vector<16xi1>, vector<16xi32>
    %sub3A_144 = arith.subi %get3A_128, %select_n3A_143 : vector<16xi32>
    %mul3A_145 = vector.broadcast %select_n3A_32 : i32 to vector<16xi32>
    %mul3A_146 = arith.muli %sub3A_144, %mul3A_145 : vector<16xi32>
    %add3A_147 = arith.addi %select_n3A_143, %mul3A_146 : vector<16xi32>
    %mul3A_148 = arith.constant 4096 : i32
    %mul3A_149 = vector.broadcast %mul3A_148 : i32 to vector<16xi32>
    %mul3A_150 = arith.muli %add3A_147, %mul3A_149 : vector<16xi32>
    %add3A_151 = arith.addi %mul3A_150, %add3A_133 : vector<16xi32>
    %swap3A_152 = arith.constant 0 : i32
    %swap3A_153 = arith.index_cast %swap3A_152 : i32 to index
    %swap3A_154 = arith.constant 48 : index
    %swap3A_155 = tpu.vector_load %arg6[%swap3A_153, %swap3A_154] {strides = array<i32>} : memref<2x128xi32, #tpu.memory_space<vmem>>, vector<1x16xi32>,
    %swap3A_156 = vector.shape_cast %swap3A_155 : vector<1x16xi32> to vector<16xi32>
    %swap3A_157 = vector.shape_cast %add3A_151 : vector<16xi32> to vector<1x16xi32>
    tpu.vector_store %arg6[%swap3A_153, %swap3A_154], %swap3A_157 {strides = array<i32>} : memref<2x128xi32, #tpu.memory_space<vmem>>, vector<1x16xi32>,
    %get3A_158 = arith.constant 64 : index
    %get3A_159 = tpu.vector_load %arg5[%get3A_158] {strides = array<i32>} : memref<256xi32, #tpu.memory_space<vmem>>, vector<16xi32>,
    %get3A_160 = vector.shape_cast %get3A_159 : vector<16xi32> to vector<16xi32>
    %add3A_161 = arith.constant 64 : i32
    %add3A_162 = arith.addi %mul3A_11, %add3A_161 : i32
    %iota3A_163 = tpu.iota {dimensions = array<i32: 0>} : vector<16xi32>
    %add3A_164 = vector.broadcast %add3A_162 : i32 to vector<16xi32>
    %add3A_165 = arith.addi %add3A_164, %iota3A_163 : vector<16xi32>
    %sub3A_166 = arith.constant 1 : i32
    %sub3A_167 = vector.broadcast %sub3A_166 : i32 to vector<16xi32>
    %sub3A_168 = arith.subi %get3A_160, %sub3A_167 : vector<16xi32>
    %lt3A_169 = arith.constant 0 : i32
    %lt3A_170 = vector.broadcast %lt3A_169 : i32 to vector<16xi32>
    %lt3A_171 = arith.cmpi slt, %sub3A_168, %lt3A_170 : vector<16xi32>
    %add3A_172 = arith.constant 202 : i32
    %add3A_173 = vector.broadcast %add3A_172 : i32 to vector<16xi32>
    %add3A_174 = arith.addi %sub3A_168, %add3A_173 : vector<16xi32>
    %select_n3A_175 = arith.select %lt3A_171, %add3A_174, %sub3A_168 : vector<16xi1>, vector<16xi32>
    %sub3A_176 = arith.subi %get3A_160, %select_n3A_175 : vector<16xi32>
    %mul3A_177 = vector.broadcast %select_n3A_32 : i32 to vector<16xi32>
    %mul3A_178 = arith.muli %sub3A_176, %mul3A_177 : vector<16xi32>
    %add3A_179 = arith.addi %select_n3A_175, %mul3A_178 : vector<16xi32>
    %mul3A_180 = arith.constant 4096 : i32
    %mul3A_181 = vector.broadcast %mul3A_180 : i32 to vector<16xi32>
    %mul3A_182 = arith.muli %add3A_179, %mul3A_181 : vector<16xi32>
    %add3A_183 = arith.addi %mul3A_182, %add3A_165 : vector<16xi32>
    %swap3A_184 = arith.constant 0 : i32
    %swap3A_185 = arith.index_cast %swap3A_184 : i32 to index
    %swap3A_186 = arith.constant 64 : index
    %swap3A_187 = tpu.vector_load %arg6[%swap3A_185, %swap3A_186] {strides = array<i32>} : memref<2x128xi32, #tpu.memory_space<vmem>>, vector<1x16xi32>,
    %swap3A_188 = vector.shape_cast %swap3A_187 : vector<1x16xi32> to vector<16xi32>
    %swap3A_189 = vector.shape_cast %add3A_183 : vector<16xi32> to vector<1x16xi32>
    tpu.vector_store %arg6[%swap3A_185, %swap3A_186], %swap3A_189 {strides = array<i32>} : memref<2x128xi32, #tpu.memory_space<vmem>>, vector<1x16xi32>,
    %get3A_190 = arith.constant 80 : index
    %get3A_191 = tpu.vector_load %arg5[%get3A_190] {strides = array<i32>} : memref<256xi32, #tpu.memory_space<vmem>>, vector<16xi32>,
    %get3A_192 = vector.shape_cast %get3A_191 : vector<16xi32> to vector<16xi32>
    %add3A_193 = arith.constant 80 : i32
    %add3A_194 = arith.addi %mul3A_11, %add3A_193 : i32
    %iota3A_195 = tpu.iota {dimensions = array<i32: 0>} : vector<16xi32>
    %add3A_196 = vector.broadcast %add3A_194 : i32 to vector<16xi32>
    %add3A_197 = arith.addi %add3A_196, %iota3A_195 : vector<16xi32>
    %sub3A_198 = arith.constant 1 : i32
    %sub3A_199 = vector.broadcast %sub3A_198 : i32 to vector<16xi32>
    %sub3A_200 = arith.subi %get3A_192, %sub3A_199 : vector<16xi32>
    %lt3A_201 = arith.constant 0 : i32
    %lt3A_202 = vector.broadcast %lt3A_201 : i32 to vector<16xi32>
    %lt3A_203 = arith.cmpi slt, %sub3A_200, %lt3A_202 : vector<16xi32>
    %add3A_204 = arith.constant 202 : i32
    %add3A_205 = vector.broadcast %add3A_204 : i32 to vector<16xi32>
    %add3A_206 = arith.addi %sub3A_200, %add3A_205 : vector<16xi32>
    %select_n3A_207 = arith.select %lt3A_203, %add3A_206, %sub3A_200 : vector<16xi1>, vector<16xi32>
    %sub3A_208 = arith.subi %get3A_192, %select_n3A_207 : vector<16xi32>
    %mul3A_209 = vector.broadcast %select_n3A_32 : i32 to vector<16xi32>
    %mul3A_210 = arith.muli %sub3A_208, %mul3A_209 : vector<16xi32>
    %add3A_211 = arith.addi %select_n3A_207, %mul3A_210 : vector<16xi32>
    %mul3A_212 = arith.constant 4096 : i32
    %mul3A_213 = vector.broadcast %mul3A_212 : i32 to vector<16xi32>
    %mul3A_214 = arith.muli %add3A_211, %mul3A_213 : vector<16xi32>
    %add3A_215 = arith.addi %mul3A_214, %add3A_197 : vector<16xi32>
    %swap3A_216 = arith.constant 0 : i32
    %swap3A_217 = arith.index_cast %swap3A_216 : i32 to index
    %swap3A_218 = arith.constant 80 : index
    %swap3A_219 = tpu.vector_load %arg6[%swap3A_217, %swap3A_218] {strides = array<i32>} : memref<2x128xi32, #tpu.memory_space<vmem>>, vector<1x16xi32>,
    %swap3A_220 = vector.shape_cast %swap3A_219 : vector<1x16xi32> to vector<16xi32>
    %swap3A_221 = vector.shape_cast %add3A_215 : vector<16xi32> to vector<1x16xi32>
    tpu.vector_store %arg6[%swap3A_217, %swap3A_218], %swap3A_221 {strides = array<i32>} : memref<2x128xi32, #tpu.memory_space<vmem>>, vector<1x16xi32>,
    %get3A_222 = arith.constant 96 : index
    %get3A_223 = tpu.vector_load %arg5[%get3A_222] {strides = array<i32>} : memref<256xi32, #tpu.memory_space<vmem>>, vector<16xi32>,
    %get3A_224 = vector.shape_cast %get3A_223 : vector<16xi32> to vector<16xi32>
    %add3A_225 = arith.constant 96 : i32
    %add3A_226 = arith.addi %mul3A_11, %add3A_225 : i32
    %iota3A_227 = tpu.iota {dimensions = array<i32: 0>} : vector<16xi32>
    %add3A_228 = vector.broadcast %add3A_226 : i32 to vector<16xi32>
    %add3A_229 = arith.addi %add3A_228, %iota3A_227 : vector<16xi32>
    %sub3A_230 = arith.constant 1 : i32
    %sub3A_231 = vector.broadcast %sub3A_230 : i32 to vector<16xi32>
    %sub3A_232 = arith.subi %get3A_224, %sub3A_231 : vector<16xi32>
    %lt3A_233 = arith.constant 0 : i32
    %lt3A_234 = vector.broadcast %lt3A_233 : i32 to vector<16xi32>
    %lt3A_235 = arith.cmpi slt, %sub3A_232, %lt3A_234 : vector<16xi32>
    %add3A_236 = arith.constant 202 : i32
    %add3A_237 = vector.broadcast %add3A_236 : i32 to vector<16xi32>
    %add3A_238 = arith.addi %sub3A_232, %add3A_237 : vector<16xi32>
    %select_n3A_239 = arith.select %lt3A_235, %add3A_238, %sub3A_232 : vector<16xi1>, vector<16xi32>
    %sub3A_240 = arith.subi %get3A_224, %select_n3A_239 : vector<16xi32>
    %mul3A_241 = vector.broadcast %select_n3A_32 : i32 to vector<16xi32>
    %mul3A_242 = arith.muli %sub3A_240, %mul3A_241 : vector<16xi32>
    %add3A_243 = arith.addi %select_n3A_239, %mul3A_242 : vector<16xi32>
    %mul3A_244 = arith.constant 4096 : i32
    %mul3A_245 = vector.broadcast %mul3A_244 : i32 to vector<16xi32>
    %mul3A_246 = arith.muli %add3A_243, %mul3A_245 : vector<16xi32>
    %add3A_247 = arith.addi %mul3A_246, %add3A_229 : vector<16xi32>
    %swap3A_248 = arith.constant 0 : i32
    %swap3A_249 = arith.index_cast %swap3A_248 : i32 to index
    %swap3A_250 = arith.constant 96 : index
    %swap3A_251 = tpu.vector_load %arg6[%swap3A_249, %swap3A_250] {strides = array<i32>} : memref<2x128xi32, #tpu.memory_space<vmem>>, vector<1x16xi32>,
    %swap3A_252 = vector.shape_cast %swap3A_251 : vector<1x16xi32> to vector<16xi32>
    %swap3A_253 = vector.shape_cast %add3A_247 : vector<16xi32> to vector<1x16xi32>
    tpu.vector_store %arg6[%swap3A_249, %swap3A_250], %swap3A_253 {strides = array<i32>} : memref<2x128xi32, #tpu.memory_space<vmem>>, vector<1x16xi32>,
    %get3A_254 = arith.constant 112 : index
    %get3A_255 = tpu.vector_load %arg5[%get3A_254] {strides = array<i32>} : memref<256xi32, #tpu.memory_space<vmem>>, vector<16xi32>,
    %get3A_256 = vector.shape_cast %get3A_255 : vector<16xi32> to vector<16xi32>
    %add3A_257 = arith.constant 112 : i32
    %add3A_258 = arith.addi %mul3A_11, %add3A_257 : i32
    %iota3A_259 = tpu.iota {dimensions = array<i32: 0>} : vector<16xi32>
    %add3A_260 = vector.broadcast %add3A_258 : i32 to vector<16xi32>
    %add3A_261 = arith.addi %add3A_260, %iota3A_259 : vector<16xi32>
    %sub3A_262 = arith.constant 1 : i32
    %sub3A_263 = vector.broadcast %sub3A_262 : i32 to vector<16xi32>
    %sub3A_264 = arith.subi %get3A_256, %sub3A_263 : vector<16xi32>
    %lt3A_265 = arith.constant 0 : i32
    %lt3A_266 = vector.broadcast %lt3A_265 : i32 to vector<16xi32>
    %lt3A_267 = arith.cmpi slt, %sub3A_264, %lt3A_266 : vector<16xi32>
    %add3A_268 = arith.constant 202 : i32
    %add3A_269 = vector.broadcast %add3A_268 : i32 to vector<16xi32>
    %add3A_270 = arith.addi %sub3A_264, %add3A_269 : vector<16xi32>
    %select_n3A_271 = arith.select %lt3A_267, %add3A_270, %sub3A_264 : vector<16xi1>, vector<16xi32>
    %sub3A_272 = arith.subi %get3A_256, %select_n3A_271 : vector<16xi32>
    %mul3A_273 = vector.broadcast %select_n3A_32 : i32 to vector<16xi32>
    %mul3A_274 = arith.muli %sub3A_272, %mul3A_273 : vector<16xi32>
    %add3A_275 = arith.addi %select_n3A_271, %mul3A_274 : vector<16xi32>
    %mul3A_276 = arith.constant 4096 : i32
    %mul3A_277 = vector.broadcast %mul3A_276 : i32 to vector<16xi32>
    %mul3A_278 = arith.muli %add3A_275, %mul3A_277 : vector<16xi32>
    %add3A_279 = arith.addi %mul3A_278, %add3A_261 : vector<16xi32>
    %swap3A_280 = arith.constant 0 : i32
    %swap3A_281 = arith.index_cast %swap3A_280 : i32 to index
    %swap3A_282 = arith.constant 112 : index
    %swap3A_283 = tpu.vector_load %arg6[%swap3A_281, %swap3A_282] {strides = array<i32>} : memref<2x128xi32, #tpu.memory_space<vmem>>, vector<1x16xi32>,
    %swap3A_284 = vector.shape_cast %swap3A_283 : vector<1x16xi32> to vector<16xi32>
    %swap3A_285 = vector.shape_cast %add3A_279 : vector<16xi32> to vector<1x16xi32>
    tpu.vector_store %arg6[%swap3A_281, %swap3A_282], %swap3A_285 {strides = array<i32>} : memref<2x128xi32, #tpu.memory_space<vmem>>, vector<1x16xi32>,
    %dma_start3A = arith.constant 0 : i32
    %dma_start3A_286 = arith.constant 0 : i32
    %dma_start3A_287 = arith.constant 0 : i32
    %dma_start3A_288 = tpu.memref_slice %arg7[%dma_start3A_286, %dma_start3A_287] : memref<256x128xf32, #tpu.memory_space<vmem>> -> memref<128x128xf32, #tpu.memory_space<vmem>>
    %dma_start3A_289 = arith.constant 0 : i32
    %dma_start3A_290 = tpu.memref_slice %arg6[%dma_start3A, %dma_start3A_289] : memref<2x128xi32, #tpu.memory_space<vmem>> -> memref<1x128xi32, #tpu.memory_space<vmem>>
    %dma_start3A_291 = tpu.memref_squeeze %dma_start3A_290 : memref<1x128xi32, #tpu.memory_space<vmem>> -> memref<128xi32, #tpu.memory_space<vmem>>
    %dma_start3A_292 = arith.constant 0 : i32
    %dma_start3A_293 = arith.constant 0 : i32
    %dma_start3A_294 = tpu.memref_slice %arg2[%dma_start3A_292, %dma_start3A_293] : memref<827392x128xf32, #tpu.memory_space<hbm>> -> memref<827392x128xf32, #tpu.memory_space<hbm>>
    tpu.enqueue_indirect_dma source(%dma_start3A_294 : memref<827392x128xf32, #tpu.memory_space<hbm>>) target(%dma_start3A_288 : memref<128x128xf32, #tpu.memory_space<vmem>>) offsets(%dma_start3A_291 : memref<128xi32, #tpu.memory_space<vmem>>) semaphore(%arg8 : memref<!tpu.dma_semaphore, #tpu.memory_space<semaphore_mem>>)
    %get3A_295 = arith.constant 128 : index
    %get3A_296 = tpu.vector_load %arg5[%get3A_295] {strides = array<i32>} : memref<256xi32, #tpu.memory_space<vmem>>, vector<16xi32>,
    %get3A_297 = vector.shape_cast %get3A_296 : vector<16xi32> to vector<16xi32>
    %add3A_298 = arith.constant 128 : i32
    %add3A_299 = arith.addi %mul3A_11, %add3A_298 : i32
    %iota3A_300 = tpu.iota {dimensions = array<i32: 0>} : vector<16xi32>
    %add3A_301 = vector.broadcast %add3A_299 : i32 to vector<16xi32>
    %add3A_302 = arith.addi %add3A_301, %iota3A_300 : vector<16xi32>
    %sub3A_303 = arith.constant 1 : i32
    %sub3A_304 = vector.broadcast %sub3A_303 : i32 to vector<16xi32>
    %sub3A_305 = arith.subi %get3A_297, %sub3A_304 : vector<16xi32>
    %lt3A_306 = arith.constant 0 : i32
    %lt3A_307 = vector.broadcast %lt3A_306 : i32 to vector<16xi32>
    %lt3A_308 = arith.cmpi slt, %sub3A_305, %lt3A_307 : vector<16xi32>
    %add3A_309 = arith.constant 202 : i32
    %add3A_310 = vector.broadcast %add3A_309 : i32 to vector<16xi32>
    %add3A_311 = arith.addi %sub3A_305, %add3A_310 : vector<16xi32>
    %select_n3A_312 = arith.select %lt3A_308, %add3A_311, %sub3A_305 : vector<16xi1>, vector<16xi32>
    %sub3A_313 = arith.subi %get3A_297, %select_n3A_312 : vector<16xi32>
    %mul3A_314 = vector.broadcast %select_n3A_32 : i32 to vector<16xi32>
    %mul3A_315 = arith.muli %sub3A_313, %mul3A_314 : vector<16xi32>
    %add3A_316 = arith.addi %select_n3A_312, %mul3A_315 : vector<16xi32>
    %mul3A_317 = arith.constant 4096 : i32
    %mul3A_318 = vector.broadcast %mul3A_317 : i32 to vector<16xi32>
    %mul3A_319 = arith.muli %add3A_316, %mul3A_318 : vector<16xi32>
    %add3A_320 = arith.addi %mul3A_319, %add3A_302 : vector<16xi32>
    %swap3A_321 = arith.constant 1 : i32
    %swap3A_322 = arith.index_cast %swap3A_321 : i32 to index
    %swap3A_323 = arith.constant 0 : index
    %swap3A_324 = tpu.vector_load %arg6[%swap3A_322, %swap3A_323] {strides = array<i32>} : memref<2x128xi32, #tpu.memory_space<vmem>>, vector<1x16xi32>,
    %swap3A_325 = vector.shape_cast %swap3A_324 : vector<1x16xi32> to vector<16xi32>
    %swap3A_326 = vector.shape_cast %add3A_320 : vector<16xi32> to vector<1x16xi32>
    tpu.vector_store %arg6[%swap3A_322, %swap3A_323], %swap3A_326 {strides = array<i32>} : memref<2x128xi32, #tpu.memory_space<vmem>>, vector<1x16xi32>,
    %get3A_327 = arith.constant 144 : index
    %get3A_328 = tpu.vector_load %arg5[%get3A_327] {strides = array<i32>} : memref<256xi32, #tpu.memory_space<vmem>>, vector<16xi32>,
    %get3A_329 = vector.shape_cast %get3A_328 : vector<16xi32> to vector<16xi32>
    %add3A_330 = arith.constant 144 : i32
    %add3A_331 = arith.addi %mul3A_11, %add3A_330 : i32
    %iota3A_332 = tpu.iota {dimensions = array<i32: 0>} : vector<16xi32>
    %add3A_333 = vector.broadcast %add3A_331 : i32 to vector<16xi32>
    %add3A_334 = arith.addi %add3A_333, %iota3A_332 : vector<16xi32>
    %sub3A_335 = arith.constant 1 : i32
    %sub3A_336 = vector.broadcast %sub3A_335 : i32 to vector<16xi32>
    %sub3A_337 = arith.subi %get3A_329, %sub3A_336 : vector<16xi32>
    %lt3A_338 = arith.constant 0 : i32
    %lt3A_339 = vector.broadcast %lt3A_338 : i32 to vector<16xi32>
    %lt3A_340 = arith.cmpi slt, %sub3A_337, %lt3A_339 : vector<16xi32>
    %add3A_341 = arith.constant 202 : i32
    %add3A_342 = vector.broadcast %add3A_341 : i32 to vector<16xi32>
    %add3A_343 = arith.addi %sub3A_337, %add3A_342 : vector<16xi32>
    %select_n3A_344 = arith.select %lt3A_340, %add3A_343, %sub3A_337 : vector<16xi1>, vector<16xi32>
    %sub3A_345 = arith.subi %get3A_329, %select_n3A_344 : vector<16xi32>
    %mul3A_346 = vector.broadcast %select_n3A_32 : i32 to vector<16xi32>
    %mul3A_347 = arith.muli %sub3A_345, %mul3A_346 : vector<16xi32>
    %add3A_348 = arith.addi %select_n3A_344, %mul3A_347 : vector<16xi32>
    %mul3A_349 = arith.constant 4096 : i32
    %mul3A_350 = vector.broadcast %mul3A_349 : i32 to vector<16xi32>
    %mul3A_351 = arith.muli %add3A_348, %mul3A_350 : vector<16xi32>
    %add3A_352 = arith.addi %mul3A_351, %add3A_334 : vector<16xi32>
    %swap3A_353 = arith.constant 1 : i32
    %swap3A_354 = arith.index_cast %swap3A_353 : i32 to index
    %swap3A_355 = arith.constant 16 : index
    %swap3A_356 = tpu.vector_load %arg6[%swap3A_354, %swap3A_355] {strides = array<i32>} : memref<2x128xi32, #tpu.memory_space<vmem>>, vector<1x16xi32>,
    %swap3A_357 = vector.shape_cast %swap3A_356 : vector<1x16xi32> to vector<16xi32>
    %swap3A_358 = vector.shape_cast %add3A_352 : vector<16xi32> to vector<1x16xi32>
    tpu.vector_store %arg6[%swap3A_354, %swap3A_355], %swap3A_358 {strides = array<i32>} : memref<2x128xi32, #tpu.memory_space<vmem>>, vector<1x16xi32>,
    %get3A_359 = arith.constant 160 : index
    %get3A_360 = tpu.vector_load %arg5[%get3A_359] {strides = array<i32>} : memref<256xi32, #tpu.memory_space<vmem>>, vector<16xi32>,
    %get3A_361 = vector.shape_cast %get3A_360 : vector<16xi32> to vector<16xi32>
    %add3A_362 = arith.constant 160 : i32
    %add3A_363 = arith.addi %mul3A_11, %add3A_362 : i32
    %iota3A_364 = tpu.iota {dimensions = array<i32: 0>} : vector<16xi32>
    %add3A_365 = vector.broadcast %add3A_363 : i32 to vector<16xi32>
    %add3A_366 = arith.addi %add3A_365, %iota3A_364 : vector<16xi32>
    %sub3A_367 = arith.constant 1 : i32
    %sub3A_368 = vector.broadcast %sub3A_367 : i32 to vector<16xi32>
    %sub3A_369 = arith.subi %get3A_361, %sub3A_368 : vector<16xi32>
    %lt3A_370 = arith.constant 0 : i32
    %lt3A_371 = vector.broadcast %lt3A_370 : i32 to vector<16xi32>
    %lt3A_372 = arith.cmpi slt, %sub3A_369, %lt3A_371 : vector<16xi32>
    %add3A_373 = arith.constant 202 : i32
    %add3A_374 = vector.broadcast %add3A_373 : i32 to vector<16xi32>
    %add3A_375 = arith.addi %sub3A_369, %add3A_374 : vector<16xi32>
    %select_n3A_376 = arith.select %lt3A_372, %add3A_375, %sub3A_369 : vector<16xi1>, vector<16xi32>
    %sub3A_377 = arith.subi %get3A_361, %select_n3A_376 : vector<16xi32>
    %mul3A_378 = vector.broadcast %select_n3A_32 : i32 to vector<16xi32>
    %mul3A_379 = arith.muli %sub3A_377, %mul3A_378 : vector<16xi32>
    %add3A_380 = arith.addi %select_n3A_376, %mul3A_379 : vector<16xi32>
    %mul3A_381 = arith.constant 4096 : i32
    %mul3A_382 = vector.broadcast %mul3A_381 : i32 to vector<16xi32>
    %mul3A_383 = arith.muli %add3A_380, %mul3A_382 : vector<16xi32>
    %add3A_384 = arith.addi %mul3A_383, %add3A_366 : vector<16xi32>
    %swap3A_385 = arith.constant 1 : i32
    %swap3A_386 = arith.index_cast %swap3A_385 : i32 to index
    %swap3A_387 = arith.constant 32 : index
    %swap3A_388 = tpu.vector_load %arg6[%swap3A_386, %swap3A_387] {strides = array<i32>} : memref<2x128xi32, #tpu.memory_space<vmem>>, vector<1x16xi32>,
    %swap3A_389 = vector.shape_cast %swap3A_388 : vector<1x16xi32> to vector<16xi32>
    %swap3A_390 = vector.shape_cast %add3A_384 : vector<16xi32> to vector<1x16xi32>
    tpu.vector_store %arg6[%swap3A_386, %swap3A_387], %swap3A_390 {strides = array<i32>} : memref<2x128xi32, #tpu.memory_space<vmem>>, vector<1x16xi32>,
    %get3A_391 = arith.constant 176 : index
    %get3A_392 = tpu.vector_load %arg5[%get3A_391] {strides = array<i32>} : memref<256xi32, #tpu.memory_space<vmem>>, vector<16xi32>,
    %get3A_393 = vector.shape_cast %get3A_392 : vector<16xi32> to vector<16xi32>
    %add3A_394 = arith.constant 176 : i32
    %add3A_395 = arith.addi %mul3A_11, %add3A_394 : i32
    %iota3A_396 = tpu.iota {dimensions = array<i32: 0>} : vector<16xi32>
    %add3A_397 = vector.broadcast %add3A_395 : i32 to vector<16xi32>
    %add3A_398 = arith.addi %add3A_397, %iota3A_396 : vector<16xi32>
    %sub3A_399 = arith.constant 1 : i32
    %sub3A_400 = vector.broadcast %sub3A_399 : i32 to vector<16xi32>
    %sub3A_401 = arith.subi %get3A_393, %sub3A_400 : vector<16xi32>
    %lt3A_402 = arith.constant 0 : i32
    %lt3A_403 = vector.broadcast %lt3A_402 : i32 to vector<16xi32>
    %lt3A_404 = arith.cmpi slt, %sub3A_401, %lt3A_403 : vector<16xi32>
    %add3A_405 = arith.constant 202 : i32
    %add3A_406 = vector.broadcast %add3A_405 : i32 to vector<16xi32>
    %add3A_407 = arith.addi %sub3A_401, %add3A_406 : vector<16xi32>
    %select_n3A_408 = arith.select %lt3A_404, %add3A_407, %sub3A_401 : vector<16xi1>, vector<16xi32>
    %sub3A_409 = arith.subi %get3A_393, %select_n3A_408 : vector<16xi32>
    %mul3A_410 = vector.broadcast %select_n3A_32 : i32 to vector<16xi32>
    %mul3A_411 = arith.muli %sub3A_409, %mul3A_410 : vector<16xi32>
    %add3A_412 = arith.addi %select_n3A_408, %mul3A_411 : vector<16xi32>
    %mul3A_413 = arith.constant 4096 : i32
    %mul3A_414 = vector.broadcast %mul3A_413 : i32 to vector<16xi32>
    %mul3A_415 = arith.muli %add3A_412, %mul3A_414 : vector<16xi32>
    %add3A_416 = arith.addi %mul3A_415, %add3A_398 : vector<16xi32>
    %swap3A_417 = arith.constant 1 : i32
    %swap3A_418 = arith.index_cast %swap3A_417 : i32 to index
    %swap3A_419 = arith.constant 48 : index
    %swap3A_420 = tpu.vector_load %arg6[%swap3A_418, %swap3A_419] {strides = array<i32>} : memref<2x128xi32, #tpu.memory_space<vmem>>, vector<1x16xi32>,
    %swap3A_421 = vector.shape_cast %swap3A_420 : vector<1x16xi32> to vector<16xi32>
    %swap3A_422 = vector.shape_cast %add3A_416 : vector<16xi32> to vector<1x16xi32>
    tpu.vector_store %arg6[%swap3A_418, %swap3A_419], %swap3A_422 {strides = array<i32>} : memref<2x128xi32, #tpu.memory_space<vmem>>, vector<1x16xi32>,
    %get3A_423 = arith.constant 192 : index
    %get3A_424 = tpu.vector_load %arg5[%get3A_423] {strides = array<i32>} : memref<256xi32, #tpu.memory_space<vmem>>, vector<16xi32>,
    %get3A_425 = vector.shape_cast %get3A_424 : vector<16xi32> to vector<16xi32>
    %add3A_426 = arith.constant 192 : i32
    %add3A_427 = arith.addi %mul3A_11, %add3A_426 : i32
    %iota3A_428 = tpu.iota {dimensions = array<i32: 0>} : vector<16xi32>
    %add3A_429 = vector.broadcast %add3A_427 : i32 to vector<16xi32>
    %add3A_430 = arith.addi %add3A_429, %iota3A_428 : vector<16xi32>
    %sub3A_431 = arith.constant 1 : i32
    %sub3A_432 = vector.broadcast %sub3A_431 : i32 to vector<16xi32>
    %sub3A_433 = arith.subi %get3A_425, %sub3A_432 : vector<16xi32>
    %lt3A_434 = arith.constant 0 : i32
    %lt3A_435 = vector.broadcast %lt3A_434 : i32 to vector<16xi32>
    %lt3A_436 = arith.cmpi slt, %sub3A_433, %lt3A_435 : vector<16xi32>
    %add3A_437 = arith.constant 202 : i32
    %add3A_438 = vector.broadcast %add3A_437 : i32 to vector<16xi32>
    %add3A_439 = arith.addi %sub3A_433, %add3A_438 : vector<16xi32>
    %select_n3A_440 = arith.select %lt3A_436, %add3A_439, %sub3A_433 : vector<16xi1>, vector<16xi32>
    %sub3A_441 = arith.subi %get3A_425, %select_n3A_440 : vector<16xi32>
    %mul3A_442 = vector.broadcast %select_n3A_32 : i32 to vector<16xi32>
    %mul3A_443 = arith.muli %sub3A_441, %mul3A_442 : vector<16xi32>
    %add3A_444 = arith.addi %select_n3A_440, %mul3A_443 : vector<16xi32>
    %mul3A_445 = arith.constant 4096 : i32
    %mul3A_446 = vector.broadcast %mul3A_445 : i32 to vector<16xi32>
    %mul3A_447 = arith.muli %add3A_444, %mul3A_446 : vector<16xi32>
    %add3A_448 = arith.addi %mul3A_447, %add3A_430 : vector<16xi32>
    %swap3A_449 = arith.constant 1 : i32
    %swap3A_450 = arith.index_cast %swap3A_449 : i32 to index
    %swap3A_451 = arith.constant 64 : index
    %swap3A_452 = tpu.vector_load %arg6[%swap3A_450, %swap3A_451] {strides = array<i32>} : memref<2x128xi32, #tpu.memory_space<vmem>>, vector<1x16xi32>,
    %swap3A_453 = vector.shape_cast %swap3A_452 : vector<1x16xi32> to vector<16xi32>
    %swap3A_454 = vector.shape_cast %add3A_448 : vector<16xi32> to vector<1x16xi32>
    tpu.vector_store %arg6[%swap3A_450, %swap3A_451], %swap3A_454 {strides = array<i32>} : memref<2x128xi32, #tpu.memory_space<vmem>>, vector<1x16xi32>,
    %get3A_455 = arith.constant 208 : index
    %get3A_456 = tpu.vector_load %arg5[%get3A_455] {strides = array<i32>} : memref<256xi32, #tpu.memory_space<vmem>>, vector<16xi32>,
    %get3A_457 = vector.shape_cast %get3A_456 : vector<16xi32> to vector<16xi32>
    %add3A_458 = arith.constant 208 : i32
    %add3A_459 = arith.addi %mul3A_11, %add3A_458 : i32
    %iota3A_460 = tpu.iota {dimensions = array<i32: 0>} : vector<16xi32>
    %add3A_461 = vector.broadcast %add3A_459 : i32 to vector<16xi32>
    %add3A_462 = arith.addi %add3A_461, %iota3A_460 : vector<16xi32>
    %sub3A_463 = arith.constant 1 : i32
    %sub3A_464 = vector.broadcast %sub3A_463 : i32 to vector<16xi32>
    %sub3A_465 = arith.subi %get3A_457, %sub3A_464 : vector<16xi32>
    %lt3A_466 = arith.constant 0 : i32
    %lt3A_467 = vector.broadcast %lt3A_466 : i32 to vector<16xi32>
    %lt3A_468 = arith.cmpi slt, %sub3A_465, %lt3A_467 : vector<16xi32>
    %add3A_469 = arith.constant 202 : i32
    %add3A_470 = vector.broadcast %add3A_469 : i32 to vector<16xi32>
    %add3A_471 = arith.addi %sub3A_465, %add3A_470 : vector<16xi32>
    %select_n3A_472 = arith.select %lt3A_468, %add3A_471, %sub3A_465 : vector<16xi1>, vector<16xi32>
    %sub3A_473 = arith.subi %get3A_457, %select_n3A_472 : vector<16xi32>
    %mul3A_474 = vector.broadcast %select_n3A_32 : i32 to vector<16xi32>
    %mul3A_475 = arith.muli %sub3A_473, %mul3A_474 : vector<16xi32>
    %add3A_476 = arith.addi %select_n3A_472, %mul3A_475 : vector<16xi32>
    %mul3A_477 = arith.constant 4096 : i32
    %mul3A_478 = vector.broadcast %mul3A_477 : i32 to vector<16xi32>
    %mul3A_479 = arith.muli %add3A_476, %mul3A_478 : vector<16xi32>
    %add3A_480 = arith.addi %mul3A_479, %add3A_462 : vector<16xi32>
    %swap3A_481 = arith.constant 1 : i32
    %swap3A_482 = arith.index_cast %swap3A_481 : i32 to index
    %swap3A_483 = arith.constant 80 : index
    %swap3A_484 = tpu.vector_load %arg6[%swap3A_482, %swap3A_483] {strides = array<i32>} : memref<2x128xi32, #tpu.memory_space<vmem>>, vector<1x16xi32>,
    %swap3A_485 = vector.shape_cast %swap3A_484 : vector<1x16xi32> to vector<16xi32>
    %swap3A_486 = vector.shape_cast %add3A_480 : vector<16xi32> to vector<1x16xi32>
    tpu.vector_store %arg6[%swap3A_482, %swap3A_483], %swap3A_486 {strides = array<i32>} : memref<2x128xi32, #tpu.memory_space<vmem>>, vector<1x16xi32>,
    %get3A_487 = arith.constant 224 : index
    %get3A_488 = tpu.vector_load %arg5[%get3A_487] {strides = array<i32>} : memref<256xi32, #tpu.memory_space<vmem>>, vector<16xi32>,
    %get3A_489 = vector.shape_cast %get3A_488 : vector<16xi32> to vector<16xi32>
    %add3A_490 = arith.constant 224 : i32
    %add3A_491 = arith.addi %mul3A_11, %add3A_490 : i32
    %iota3A_492 = tpu.iota {dimensions = array<i32: 0>} : vector<16xi32>
    %add3A_493 = vector.broadcast %add3A_491 : i32 to vector<16xi32>
    %add3A_494 = arith.addi %add3A_493, %iota3A_492 : vector<16xi32>
    %sub3A_495 = arith.constant 1 : i32
    %sub3A_496 = vector.broadcast %sub3A_495 : i32 to vector<16xi32>
    %sub3A_497 = arith.subi %get3A_489, %sub3A_496 : vector<16xi32>
    %lt3A_498 = arith.constant 0 : i32
    %lt3A_499 = vector.broadcast %lt3A_498 : i32 to vector<16xi32>
    %lt3A_500 = arith.cmpi slt, %sub3A_497, %lt3A_499 : vector<16xi32>
    %add3A_501 = arith.constant 202 : i32
    %add3A_502 = vector.broadcast %add3A_501 : i32 to vector<16xi32>
    %add3A_503 = arith.addi %sub3A_497, %add3A_502 : vector<16xi32>
    %select_n3A_504 = arith.select %lt3A_500, %add3A_503, %sub3A_497 : vector<16xi1>, vector<16xi32>
    %sub3A_505 = arith.subi %get3A_489, %select_n3A_504 : vector<16xi32>
    %mul3A_506 = vector.broadcast %select_n3A_32 : i32 to vector<16xi32>
    %mul3A_507 = arith.muli %sub3A_505, %mul3A_506 : vector<16xi32>
    %add3A_508 = arith.addi %select_n3A_504, %mul3A_507 : vector<16xi32>
    %mul3A_509 = arith.constant 4096 : i32
    %mul3A_510 = vector.broadcast %mul3A_509 : i32 to vector<16xi32>
    %mul3A_511 = arith.muli %add3A_508, %mul3A_510 : vector<16xi32>
    %add3A_512 = arith.addi %mul3A_511, %add3A_494 : vector<16xi32>
    %swap3A_513 = arith.constant 1 : i32
    %swap3A_514 = arith.index_cast %swap3A_513 : i32 to index
    %swap3A_515 = arith.constant 96 : index
    %swap3A_516 = tpu.vector_load %arg6[%swap3A_514, %swap3A_515] {strides = array<i32>} : memref<2x128xi32, #tpu.memory_space<vmem>>, vector<1x16xi32>,
    %swap3A_517 = vector.shape_cast %swap3A_516 : vector<1x16xi32> to vector<16xi32>
    %swap3A_518 = vector.shape_cast %add3A_512 : vector<16xi32> to vector<1x16xi32>
    tpu.vector_store %arg6[%swap3A_514, %swap3A_515], %swap3A_518 {strides = array<i32>} : memref<2x128xi32, #tpu.memory_space<vmem>>, vector<1x16xi32>,
    %get3A_519 = arith.constant 240 : index
    %get3A_520 = tpu.vector_load %arg5[%get3A_519] {strides = array<i32>} : memref<256xi32, #tpu.memory_space<vmem>>, vector<16xi32>,
    %get3A_521 = vector.shape_cast %get3A_520 : vector<16xi32> to vector<16xi32>
    %add3A_522 = arith.constant 240 : i32
    %add3A_523 = arith.addi %mul3A_11, %add3A_522 : i32
    %iota3A_524 = tpu.iota {dimensions = array<i32: 0>} : vector<16xi32>
    %add3A_525 = vector.broadcast %add3A_523 : i32 to vector<16xi32>
    %add3A_526 = arith.addi %add3A_525, %iota3A_524 : vector<16xi32>
    %sub3A_527 = arith.constant 1 : i32
    %sub3A_528 = vector.broadcast %sub3A_527 : i32 to vector<16xi32>
    %sub3A_529 = arith.subi %get3A_521, %sub3A_528 : vector<16xi32>
    %lt3A_530 = arith.constant 0 : i32
    %lt3A_531 = vector.broadcast %lt3A_530 : i32 to vector<16xi32>
    %lt3A_532 = arith.cmpi slt, %sub3A_529, %lt3A_531 : vector<16xi32>
    %add3A_533 = arith.constant 202 : i32
    %add3A_534 = vector.broadcast %add3A_533 : i32 to vector<16xi32>
    %add3A_535 = arith.addi %sub3A_529, %add3A_534 : vector<16xi32>
    %select_n3A_536 = arith.select %lt3A_532, %add3A_535, %sub3A_529 : vector<16xi1>, vector<16xi32>
    %sub3A_537 = arith.subi %get3A_521, %select_n3A_536 : vector<16xi32>
    %mul3A_538 = vector.broadcast %select_n3A_32 : i32 to vector<16xi32>
    %mul3A_539 = arith.muli %sub3A_537, %mul3A_538 : vector<16xi32>
    %add3A_540 = arith.addi %select_n3A_536, %mul3A_539 : vector<16xi32>
    %mul3A_541 = arith.constant 4096 : i32
    %mul3A_542 = vector.broadcast %mul3A_541 : i32 to vector<16xi32>
    %mul3A_543 = arith.muli %add3A_540, %mul3A_542 : vector<16xi32>
    %add3A_544 = arith.addi %mul3A_543, %add3A_526 : vector<16xi32>
    %swap3A_545 = arith.constant 1 : i32
    %swap3A_546 = arith.index_cast %swap3A_545 : i32 to index
    %swap3A_547 = arith.constant 112 : index
    %swap3A_548 = tpu.vector_load %arg6[%swap3A_546, %swap3A_547] {strides = array<i32>} : memref<2x128xi32, #tpu.memory_space<vmem>>, vector<1x16xi32>,
    %swap3A_549 = vector.shape_cast %swap3A_548 : vector<1x16xi32> to vector<16xi32>
    %swap3A_550 = vector.shape_cast %add3A_544 : vector<16xi32> to vector<1x16xi32>
    tpu.vector_store %arg6[%swap3A_546, %swap3A_547], %swap3A_550 {strides = array<i32>} : memref<2x128xi32, #tpu.memory_space<vmem>>, vector<1x16xi32>,
    %dma_start3A_551 = arith.constant 1 : i32
    %dma_start3A_552 = arith.constant 128 : i32
    %dma_start3A_553 = arith.constant 0 : i32
    %dma_start3A_554 = tpu.memref_slice %arg7[%dma_start3A_552, %dma_start3A_553] : memref<256x128xf32, #tpu.memory_space<vmem>> -> memref<128x128xf32, #tpu.memory_space<vmem>>
    %dma_start3A_555 = arith.constant 0 : i32
    %dma_start3A_556 = tpu.memref_slice %arg6[%dma_start3A_551, %dma_start3A_555] : memref<2x128xi32, #tpu.memory_space<vmem>> -> memref<1x128xi32, #tpu.memory_space<vmem>>
    %dma_start3A_557 = tpu.memref_squeeze %dma_start3A_556 : memref<1x128xi32, #tpu.memory_space<vmem>> -> memref<128xi32, #tpu.memory_space<vmem>>
    %dma_start3A_558 = arith.constant 0 : i32
    %dma_start3A_559 = arith.constant 0 : i32
    %dma_start3A_560 = tpu.memref_slice %arg2[%dma_start3A_558, %dma_start3A_559] : memref<827392x128xf32, #tpu.memory_space<hbm>> -> memref<827392x128xf32, #tpu.memory_space<hbm>>
    tpu.enqueue_indirect_dma source(%dma_start3A_560 : memref<827392x128xf32, #tpu.memory_space<hbm>>) target(%dma_start3A_554 : memref<128x128xf32, #tpu.memory_space<vmem>>) offsets(%dma_start3A_557 : memref<128xi32, #tpu.memory_space<vmem>>) semaphore(%arg8 : memref<!tpu.dma_semaphore, #tpu.memory_space<semaphore_mem>>)
    %dma_wait3A = arith.constant 0 : i32
    %dma_wait3A_561 = arith.constant 0 : i32
    %dma_wait3A_562 = arith.constant 0 : i32
    %dma_wait3A_563 = tpu.memref_slice %arg7[%dma_wait3A_561, %dma_wait3A_562] : memref<256x128xf32, #tpu.memory_space<vmem>> -> memref<128x128xf32, #tpu.memory_space<vmem>>
    %dma_wait3A_564 = arith.constant 0 : i32
    %dma_wait3A_565 = tpu.memref_slice %arg6[%dma_wait3A, %dma_wait3A_564] : memref<2x128xi32, #tpu.memory_space<vmem>> -> memref<1x128xi32, #tpu.memory_space<vmem>>
    %dma_wait3A_566 = tpu.memref_squeeze %dma_wait3A_565 : memref<1x128xi32, #tpu.memory_space<vmem>> -> memref<128xi32, #tpu.memory_space<vmem>>
    %dma_wait3A_567 = arith.constant 0 : i32
    %dma_wait3A_568 = arith.constant 0 : i32
    %dma_wait3A_569 = tpu.memref_slice %arg2[%dma_wait3A_567, %dma_wait3A_568] : memref<827392x128xf32, #tpu.memory_space<hbm>> -> memref<827392x128xf32, #tpu.memory_space<hbm>>
    tpu.wait_indirect_dma semaphore(%arg8 : memref<!tpu.dma_semaphore, #tpu.memory_space<semaphore_mem>>) src(%dma_wait3A_569 : memref<827392x128xf32, #tpu.memory_space<hbm>>) dst(%dma_wait3A_563 : memref<128x128xf32, #tpu.memory_space<vmem>>)
    %mul3A_570 = arith.constant 256 : i32
    %mul3A_571 = arith.muli %add3A, %mul3A_570 : i32
    %add3A_572 = arith.constant 0 : i32
    %add3A_573 = arith.addi %mul3A_571, %add3A_572 : i32
    %dma_start3A_574 = arith.constant 0 : i32
    %dma_start3A_575 = arith.constant 0 : i32
    %dma_start3A_576 = tpu.memref_slice %arg7[%dma_start3A_574, %dma_start3A_575] : memref<256x128xf32, #tpu.memory_space<vmem>> -> memref<128x128xf32, #tpu.memory_space<vmem>>
    %dma_start3A_577 = arith.constant 0 : i32
    %dma_start3A_578 = tpu.memref_slice %arg4[%add3A_573, %dma_start3A_577] : memref<8192x128xf32, #tpu.memory_space<hbm>> -> memref<128x128xf32, #tpu.memory_space<hbm>>
    %dma_start3A_579 = arith.constant 0 : i32
    %dma_start3A_580 = tpu.memref_slice %arg4[%add3A_573, %dma_start3A_579] : memref<8192x128xf32, #tpu.memory_space<hbm>> -> memref<128x128xf32, #tpu.memory_space<hbm>>
    %dma_start3A_581 = arith.constant 0 : i32
    %dma_start3A_582 = arith.constant 0 : i32
    %dma_start3A_583 = tpu.memref_slice %arg7[%dma_start3A_581, %dma_start3A_582] : memref<256x128xf32, #tpu.memory_space<vmem>> -> memref<128x128xf32, #tpu.memory_space<vmem>>
    tpu.enqueue_dma source(%dma_start3A_583 : memref<128x128xf32, #tpu.memory_space<vmem>>) target(%dma_start3A_580 : memref<128x128xf32, #tpu.memory_space<hbm>>) target_semaphore(%arg9 : memref<!tpu.dma_semaphore, #tpu.memory_space<semaphore_mem>>)
    %dma_wait3A_584 = arith.constant 1 : i32
    %dma_wait3A_585 = arith.constant 128 : i32
    %dma_wait3A_586 = arith.constant 0 : i32
    %dma_wait3A_587 = tpu.memref_slice %arg7[%dma_wait3A_585, %dma_wait3A_586] : memref<256x128xf32, #tpu.memory_space<vmem>> -> memref<128x128xf32, #tpu.memory_space<vmem>>
    %dma_wait3A_588 = arith.constant 0 : i32
    %dma_wait3A_589 = tpu.memref_slice %arg6[%dma_wait3A_584, %dma_wait3A_588] : memref<2x128xi32, #tpu.memory_space<vmem>> -> memref<1x128xi32, #tpu.memory_space<vmem>>
    %dma_wait3A_590 = tpu.memref_squeeze %dma_wait3A_589 : memref<1x128xi32, #tpu.memory_space<vmem>> -> memref<128xi32, #tpu.memory_space<vmem>>
    %dma_wait3A_591 = arith.constant 0 : i32
    %dma_wait3A_592 = arith.constant 0 : i32
    %dma_wait3A_593 = tpu.memref_slice %arg2[%dma_wait3A_591, %dma_wait3A_592] : memref<827392x128xf32, #tpu.memory_space<hbm>> -> memref<827392x128xf32, #tpu.memory_space<hbm>>
    tpu.wait_indirect_dma semaphore(%arg8 : memref<!tpu.dma_semaphore, #tpu.memory_space<semaphore_mem>>) src(%dma_wait3A_593 : memref<827392x128xf32, #tpu.memory_space<hbm>>) dst(%dma_wait3A_587 : memref<128x128xf32, #tpu.memory_space<vmem>>)
    %mul3A_594 = arith.constant 256 : i32
    %mul3A_595 = arith.muli %add3A, %mul3A_594 : i32
    %add3A_596 = arith.constant 128 : i32
    %add3A_597 = arith.addi %mul3A_595, %add3A_596 : i32
    %dma_start3A_598 = arith.constant 128 : i32
    %dma_start3A_599 = arith.constant 0 : i32
    %dma_start3A_600 = tpu.memref_slice %arg7[%dma_start3A_598, %dma_start3A_599] : memref<256x128xf32, #tpu.memory_space<vmem>> -> memref<128x128xf32, #tpu.memory_space<vmem>>
    %dma_start3A_601 = arith.constant 0 : i32
    %dma_start3A_602 = tpu.memref_slice %arg4[%add3A_597, %dma_start3A_601] : memref<8192x128xf32, #tpu.memory_space<hbm>> -> memref<128x128xf32, #tpu.memory_space<hbm>>
    %dma_start3A_603 = arith.constant 0 : i32
    %dma_start3A_604 = tpu.memref_slice %arg4[%add3A_597, %dma_start3A_603] : memref<8192x128xf32, #tpu.memory_space<hbm>> -> memref<128x128xf32, #tpu.memory_space<hbm>>
    %dma_start3A_605 = arith.constant 128 : i32
    %dma_start3A_606 = arith.constant 0 : i32
    %dma_start3A_607 = tpu.memref_slice %arg7[%dma_start3A_605, %dma_start3A_606] : memref<256x128xf32, #tpu.memory_space<vmem>> -> memref<128x128xf32, #tpu.memory_space<vmem>>
    tpu.enqueue_dma source(%dma_start3A_607 : memref<128x128xf32, #tpu.memory_space<vmem>>) target(%dma_start3A_604 : memref<128x128xf32, #tpu.memory_space<hbm>>) target_semaphore(%arg9 : memref<!tpu.dma_semaphore, #tpu.memory_space<semaphore_mem>>)
    %dma_wait3A_608 = arith.constant 0 : i32
    %dma_wait3A_609 = arith.constant 0 : i32
    %dma_wait3A_610 = tpu.memref_slice %arg7[%dma_wait3A_608, %dma_wait3A_609] : memref<256x128xf32, #tpu.memory_space<vmem>> -> memref<128x128xf32, #tpu.memory_space<vmem>>
    %dma_wait3A_611 = arith.constant 0 : i32
    %dma_wait3A_612 = tpu.memref_slice %arg4[%add3A_573, %dma_wait3A_611] : memref<8192x128xf32, #tpu.memory_space<hbm>> -> memref<128x128xf32, #tpu.memory_space<hbm>>
    %dma_wait3A_613 = arith.constant 0 : i32
    %dma_wait3A_614 = tpu.memref_slice %arg4[%add3A_573, %dma_wait3A_613] : memref<8192x128xf32, #tpu.memory_space<hbm>> -> memref<128x128xf32, #tpu.memory_space<hbm>>
    %dma_wait3A_615 = arith.constant 0 : i32
    %dma_wait3A_616 = arith.constant 0 : i32
    %dma_wait3A_617 = tpu.memref_slice %arg7[%dma_wait3A_615, %dma_wait3A_616] : memref<256x128xf32, #tpu.memory_space<vmem>> -> memref<128x128xf32, #tpu.memory_space<vmem>>
    tpu.wait_dma2 semaphore(%arg9 : memref<!tpu.dma_semaphore, #tpu.memory_space<semaphore_mem>>) src(%dma_wait3A_617 : memref<128x128xf32, #tpu.memory_space<vmem>>) dst(%dma_wait3A_614 : memref<128x128xf32, #tpu.memory_space<hbm>>)
    %dma_wait3A_618 = arith.constant 128 : i32
    %dma_wait3A_619 = arith.constant 0 : i32
    %dma_wait3A_620 = tpu.memref_slice %arg7[%dma_wait3A_618, %dma_wait3A_619] : memref<256x128xf32, #tpu.memory_space<vmem>> -> memref<128x128xf32, #tpu.memory_space<vmem>>
    %dma_wait3A_621 = arith.constant 0 : i32
    %dma_wait3A_622 = tpu.memref_slice %arg4[%add3A_597, %dma_wait3A_621] : memref<8192x128xf32, #tpu.memory_space<hbm>> -> memref<128x128xf32, #tpu.memory_space<hbm>>
    %dma_wait3A_623 = arith.constant 0 : i32
    %dma_wait3A_624 = tpu.memref_slice %arg4[%add3A_597, %dma_wait3A_623] : memref<8192x128xf32, #tpu.memory_space<hbm>> -> memref<128x128xf32, #tpu.memory_space<hbm>>
    %dma_wait3A_625 = arith.constant 128 : i32
    %dma_wait3A_626 = arith.constant 0 : i32
    %dma_wait3A_627 = tpu.memref_slice %arg7[%dma_wait3A_625, %dma_wait3A_626] : memref<256x128xf32, #tpu.memory_space<vmem>> -> memref<128x128xf32, #tpu.memory_space<vmem>>
    tpu.wait_dma2 semaphore(%arg9 : memref<!tpu.dma_semaphore, #tpu.memory_space<semaphore_mem>>) src(%dma_wait3A_627 : memref<128x128xf32, #tpu.memory_space<vmem>>) dst(%dma_wait3A_624 : memref<128x128xf32, #tpu.memory_space<hbm>>)
    return
  }
}

</mosaic_0001>

<sc_bundles>
// kernel: kernel.3.cloned.1.call-start
scs
__scs_entry_jumppad:
0x0: {  	(pc) =	sbr.rel $0x88, $3  }
0x1: {  	(tag) =	ssettag $0x0;
	lr =	simm.s32 $0x1  }
0x2: {  	[smem:$0x3F9F] =	sst lr;
	_ =	strace $0xD0000000  }
0x3: {  	_ = 	snop  }
0x4: {  	_ = 	snop  }
0x5: {  	_ = 	snop  }
0x6: {  	_ = 	snop  }
0x7: {  	_ = 	snop  }
__scs_overlays_trampoline_lowered:
0x8: {  	[smem:$0x3FAE] =	sst s0  }
0x9: {  	[smem:$0x3FAF] =	sst s1  }
0xa: {  	[smem:$0x3FB0] =	sst s2  }
0xb: {  	[smem:$0x3FB1] =	sst s3  }
0xc: {  	[smem:$0x3FB2] =	sst s4  }
0xd: {  	[smem:$0x3FB3] =	sst s5  }
0xe: {  	[smem:$0x3FB4] =	sst s6  }
0xf: {  	[smem:$0x3FB5] =	sst s7  }
0x10: {  	[smem:$0x3FB6] =	sst s8  }
0x11: {  	[smem:$0x3FB7] =	sst s9;
	s0 =	simm.s32 @!p0 $0x0  }
0x12: {  	s1 =	sld [smem:$0x3F9D];
	s0 =	simm.s32 @p0 $0x1  }
0x13: {  	[smem:$0x3FB8] =	sst s0;
	s0 =	simm.s32 @!p1 $0x0  }
0x14: {  	s2 =	sld [smem:$0x3F9C];
	s0 =	simm.s32 @p1 $0x1  }
0x15: {  	[smem:$0x3FB9] =	sst s0;
	s0 =	simm.s32 @!p2 $0x0  }
0x16: {  	s3 =	sld [smem:$0x3FDB];
	s0 =	simm.s32 @p2 $0x1  }
0x17: {  	s4 =	simm.s32 $0x1BF5;
	[smem:$0x3FBB] =	sst s0  }
0x18: {  	s0 =	sld [smem:$0x3F9E];
	_ =	swait.ge [sflag:s4], $0x0  }
0x19: {  	s7 =	sld [smem:$0x3F9F]  }
0x1a: {  	s8 =	sadd.s32 $0xFFFFE003, lr  }
0x1b: {  	s9 =	sadd.s32 $0xFFFFFEF7, lr;
	s5 =	simm.s32 $0xFFFFFFFF;
	p2 =	slt.u32 s8, $0xFFFFF086  }
0x1c: {  	p1 =	slt.u32 s9, $0xF7A;
	s5 =	simm.s32 @!p2 $0x0  }
0x1d: {  	s5 =	simm.s32 @p1 $0x1;
	p0 =	seq.s32 s7, s2  }
0x1e: {  	s7 =	smul.u32 @!p0 $0xF7A, s2;
	p2 =	seq.s32 @!p0 s5, $0x0  }
0x1f: {  	s9 =	smul.u32 $0xF7A, s1;
	s8 =	simm.s32 @!p0 $0x1BF5;
	p2 =	por !p2, p0  }
0x20: {  	[sflag:s8] =	ssyncset.s32 @!p0 $0xFFFFF086;
	s6 =	sadd.s32 @!p0 s3, s7;
	s7 =	simm.s32 @!p0 $0x108  }
0x21: {  	s3 =	sadd.s32 s3, s9;
	s6 =	sadd.s32 @!p0 $0x88, s6;
	s7 =	simm.s32 @p2 $0x1082  }
0x22: {  	[simem:s7], [sflag:s8] =	dma.local @!p0 [hbm:s6], $0xF7A  }
0x23: {  	s9 =	sor.u32 $0xD0000000, s2;
	s6 =	simm.s32 $0x108;
	_ =	swait.ge @!p0 [sflag:s8], $0x0  }
0x24: {  	s3 =	sadd.s32 $0x88, s3;
	s6 =	simm.s32 @!p1 $0x1082;
	[sflag:s4] =	ssyncset.s32 $0xFFFFF086  }
0x25: {  	[simem:s6], [sflag:s4] =	dma.local [hbm:s3], $0xF7A  }
0x26: {  	[smem:$0x3F9F] =	sst s1;
	(tag) =	ssettag s2;
	_ =	strace s9  }
0x27: {  	s1 =	sld [smem:$0x3FAF]  }
0x28: {  	s2 =	sld [smem:$0x3FB0]  }
0x29: {  	s4 =	sld [smem:$0x3FB2]  }
0x2a: {  	p0 =	seq.s32 s5, $0x0;
	s5 =	sld [smem:$0x3FB3]  }
0x2b: {  	s6 =	sld [smem:$0x3FB4]  }
0x2c: {  	s7 =	sld [smem:$0x3FB5]  }
0x2d: {  	s3 =	simm.s32 $0x108;
	s8 =	sld [smem:$0x3FB6]  }
0x2e: {  	s3 =	simm.s32 @!p0 $0x1082;
	s9 =	sld [smem:$0x3FB7]  }
0x2f: {  	lr =	sadd.s32 s0, s3;
	s0 =	sld [smem:$0x3FAE]  }
0x30: {  	s3 =	sld [smem:$0x3FB1]  }
0x31: {  	[smem:$0x3FBA] =	sst s10  }
0x32: {  	s10 =	sld [smem:$0x3FB8];
	_ =	sdelay $0x3  }
0x33: {  	p0 =	seq.s32 s10, $0x1;
	s10 =	sld [smem:$0x3FBA];
	_ =	sdelay $0x3  }
0x34: {  	[smem:$0x3FBA] =	sst s10  }
0x35: {  	s10 =	sld [smem:$0x3FB9];
	_ =	sdelay $0x3  }
0x36: {  	p1 =	seq.s32 s10, $0x1;
	s10 =	sld [smem:$0x3FBA];
	_ =	sdelay $0x3  }
0x37: {  	[smem:$0x3FBA] =	sst s10  }
0x38: {  	s10 =	sld [smem:$0x3FBB]  }
0x39: {  	_ = 	snop;
	(pc) =	sbr.ind lr, $3  }
0x3a: {  	_ = 	snop  }
0x3b: {  	_ = 	snop  }
0x3c: {  	p2 =	seq.s32 s10, $0x1;
	s10 =	sld [smem:$0x3FBA]  }
0x3d: {  	_ =	shalt  }
0x3e: {  	_ =	shalt  }
0x3f: {  	_ =	shalt  }
0x40: {  	_ =	shalt  }
0x41: {  	_ =	shalt  }
0x42: {  	_ =	shalt  }
0x43: {  	_ =	shalt  }
0x44: {  	_ =	shalt  }
0x45: {  	_ =	shalt  }
0x46: {  	_ =	shalt  }
0x47: {  	_ =	shalt  }
0x48: {  	_ =	shalt  }
0x49: {  	_ =	shalt  }
0x4a: {  	_ =	shalt  }
0x4b: {  	_ =	shalt  }
0x4c: {  	_ =	shalt  }
0x4d: {  	_ =	shalt  }
0x4e: {  	_ =	shalt  }
0x4f: {  	_ =	shalt  }
0x50: {  	_ =	shalt  }
0x51: {  	_ =	shalt  }
0x52: {  	_ =	shalt  }
0x53: {  	_ =	shalt  }
0x54: {  	_ =	shalt  }
0x55: {  	_ =	shalt  }
0x56: {  	_ =	shalt  }
0x57: {  	_ =	shalt  }
0x58: {  	_ =	shalt  }
0x59: {  	_ =	shalt  }
0x5a: {  	_ =	shalt  }
0x5b: {  	_ =	shalt  }
0x5c: {  	_ =	shalt  }
0x5d: {  	_ =	shalt  }
0x5e: {  	_ =	shalt  }
0x5f: {  	_ =	shalt  }
0x60: {  	_ =	shalt  }
0x61: {  	_ =	shalt  }
0x62: {  	_ =	shalt  }
0x63: {  	_ =	shalt  }
0x64: {  	_ =	shalt  }
0x65: {  	_ =	shalt  }
0x66: {  	_ =	shalt  }
0x67: {  	_ =	shalt  }
0x68: {  	_ =	shalt  }
0x69: {  	_ =	shalt  }
0x6a: {  	_ =	shalt  }
0x6b: {  	_ =	shalt  }
0x6c: {  	_ =	shalt  }
0x6d: {  	_ =	shalt  }
0x6e: {  	_ =	shalt  }
0x6f: {  	_ =	shalt  }
0x70: {  	_ =	shalt  }
0x71: {  	_ =	shalt  }
0x72: {  	_ =	shalt  }
0x73: {  	_ =	shalt  }
0x74: {  	_ =	shalt  }
0x75: {  	_ =	shalt  }
0x76: {  	_ =	shalt  }
0x77: {  	_ =	shalt  }
0x78: {  	_ =	shalt  }
0x79: {  	_ =	shalt  }
0x7a: {  	_ =	shalt  }
0x7b: {  	_ =	shalt  }
0x7c: {  	_ =	shalt  }
0x7d: {  	_ =	shalt  }
0x7e: {  	_ =	shalt  }
0x7f: {  	_ =	shalt  }
0x80: {  	_ =	shalt  }
0x81: {  	_ =	shalt  }
0x82: {  	_ =	shalt  }
0x83: {  	_ =	shalt  }
0x84: {  	_ =	shalt  }
0x85: {  	_ =	shalt  }
0x86: {  	_ =	shalt  }
0x87: {  	_ =	shalt  }
.Lfunc_end0:
.L_simem_size_0:
called_computation_lowered:
.L_overlay_start_0:
0x88: {  	s2 =	sld [smem:$0x3FD9]  }
0x89: {  	s3 =	sld [smem:$0x3FFE];
	_ =	sdelay $0x1  }
0x8a: {  	s1 =	srdreg.scid  }
0x8b: {  	s0 =	sand.u32 $0x1, s1  }
0x8c: {  	s18 =	sshll.u32 s0, $0xA;
	s2 =	sadd.s32 s3, s2  }
0x8d: {  	s2 =	sadd.s32 s2, s18  }
0x8e: {  	[smem:$0x3FC6] =	sst s2  }
0x8f: {  	_ = 	snop  }
0x90: {  	s2 =	sld [smem:$0x3FC9]  }
0x91: {  	s19 =	sld [smem:$0x3FC8]  }
0x92: {  	s4 =	sld [smem:$0x3FD0];
	(tm) =	ssettm $0x1  }
0x93: {  	s5 =	sld [smem:$0x3FFB];
	_ =	sdelay $0x3  }
0x94: {  	_ =	strace s5  }
0x95: {  	s5 =	sld [smem:$0x3FFC];
	_ =	sdelay $0x3  }
0x96: {  	_ =	strace s5  }
0x97: {  	s5 =	sld [smem:$0x3FFD];
	_ =	sdelay $0x3  }
0x98: {  	_ =	strace s5  }
0x99: {  	_ =	strace $0x8FFFFFFF  }
0x9a: {  	s20 =	sld [smem:$0x3FDB];
	_ =	sdelay $0x1  }
0x9b: {  	s6 =	simm.s32 $_scs_section_size  }
0x9c: {  	s7 =	simm.s32 $_size__tile_overlayer_lowered;
	s8 =	simm.s32 $_tile_overlayer_lowered  }
0x9d: {  	s23 =	simm.s32 $0x1BFF;
	s22 =	sshll.u32 s8, $0x1;
	s5 =	sadd.s32 s6, s20  }
0x9e: {  	s9 =	simm.s32 $0x0;
	s21 =	sshll.u32 s7, $0x1;
	s7 =	sadd.s32 s22, s5  }
0x9f: {  	[timem:s9], [sflag:s23] =	dma.local [hbm:s7], s21  }
0xa0: {  	_ =	swait.ge [sflag:s23], s21  }
0xa1: {  	s6 =	ssub.s32 $0x0, s21;
	[sflag:s23] =	ssyncset.done $0x0  }
0xa2: {  	[sflag:s23] =	ssyncadd.s32 s6;
	_ =	sdelay $0x1  }
0xa3: {  	s24 =	simm.s32 $0x1B8B  }
0xa4: {  	_ =	swait.ge [sflag:s24], $0x1  }
0xa5: {  	[sflag:s24] =	ssyncset.done $0x0  }
0xa6: {  	s25 =	simm.s32 $0x1B8E;
	[sflag:s24] =	ssyncadd.s32 $0xFFFFFFFF  }
0xa7: {  	s26 =	simm.s32 $execute0_lowered;
	[smem:$0x3FD2] =	sst s25  }
0xa8: {  	s6 =	sshll.u32 s26, $0x1;
	_ =	strace $0x80000046;
	[dreg:$0x1] =	wrdreg $0xFFFFFFFF  }
0xa9: {  	s28 =	simm.s32 $_size_execute0_lowered;
	s5 =	sadd.s32 s5, s6;
	[dreg:$0x0] =	wrdreg $0x0  }
0xaa: {  	s6 =	sshll.u32 s28, $0x1;
	[dreg:$0x2] =	wrdreg s5  }
0xab: {  	[dreg:$0x3] =	wrdreg s6  }
0xac: {  	[dreg:$0x4] =	wrdreg $0xC0  }
0xad: {  	_ =	task [dreg:s9], $0x5FFFF  }
0xae: {  	[dreg:$0x1] =	wrdreg $0xFFFFFFFF  }
0xaf: {  	[dreg:$0x0] =	wrdreg $0x60  }
0xb0: {  	[dreg:$0x2] =	wrdreg s2  }
0xb1: {  	[dreg:$0x3] =	wrdreg s19  }
0xb2: {  	[dreg:$0x4] =	wrdreg s4  }
0xb3: {  	[dreg:$0x5] =	wrdreg $0x9  }
0xb4: {  	_ =	task.clear_ibuf [dreg:s9], $0x6FFFF;
	_ =	strace $0x90000046  }
0xb5: {  	s29 =	simm.s32 $0x9;
	_ =	strace $0x80000048  }
0xb6: {  	_ =	swait.ge [sflag:s29], $0x1  }
0xb7: {  	[sflag:s29] =	ssyncadd.s32 $0xFFFFFFFF  }
0xb8: {  	_ =	strace $0x90000048  }
0xb9: {  	_ =	sfence  }
0xba: {  	s30 =	sld [smem:$0x0];
	_ =	sdelay $0x2  }
0xbb: {  	s31 =	sshll.u32 s1, $0xD;
	s1 =	sshrl.u32 s1, $0x2  }
0xbc: {  	s3 =	sand.u32 $0x4000, s31;
	s1 =	sadd.s32 s1, s30  }
0xbd: {  	s0 =	sor.u32 s3, s0;
	s1 =	sshll.u32 s1, $0x11  }
0xbe: {  	s0 =	sor.u32 s1, s0  }
0xbf: {  	s0 =	sadd.s32 $0x8F2B, s0  }
0xc0: {  	[sflag:s0] =	ssyncadd.remote.s32 $0x1  }
0xc1: {  	_ =	sfence.sel $0xFFFF  }
0xc2: {  	[dreg:$0x0] =	wrdreg $0xFFFFFFFF;
	(pc) =	sbr.abs _section_cstart, $3  }
0xc3: {  	[dreg:$0x1] =	wrdreg $0xFFFFFFFF  }
0xc4: {  	_ =	task.clear_ibuf [dreg:s9], $0x2FFFF;
	_ =	strace $0x9FFFFFFF  }
0xc5: {  	(tm) =	ssettm $0x7FFFFFFF  }
tec
execute0_lowered:
.L_overlay_start_1:
0x0: {  	(tag) =	ssettag $0x1  }
0x1: {  	s2 =	rddreg [dreg:$0x0]  }
0x2: {  	s1 =	srdreg.scid;
	s0 =	stileid.u32  }
0x3: {  	s4 =	rddreg [dreg:$0x1];
	s10 =	sand.u32 $0x1, s1;
	s19 =	sshll.u32 s0, $0x1  }
0x4: {  	s8 =	rddreg [dreg:$0x2];
	s9 =	sor.u32 s10, s19  }
0x5: {  	s3 =	simm.s32 $0x0;
	s1 =	rddreg [dreg:$0x3];
	s6 =	sand.u32 $0xF, s9  }
0x6: {  	[smem:$0x7FF] =	sst s3;
	s5 =	sshll.u32 s6, $0x5  }
0x7: {  	_ =	strace $0x80000047;
	s4 =	sadd.s32 s4, s5;
	s5 =	simm.s32 $0x3  }
0x8: {  	[tilespmem:s3], [sflag:$0x3] =	stream.linear.gather [hbm4b:s4+s3], $0x100, $0x38;
	[tilespmem:$0x8200] =	vst v63  }
0x9: {  	_ =	swait.ge [sflag:s5], $0x100  }
0xa: {  	[sflag:s5] =	ssyncset.done $0x0  }
0xb: {  	[sflag:s5] =	ssyncadd.s32 $0xFFFFFF00  }
0xc: {  	v8 =	vld [tilespmem:$0x70]  }
0xd: {  	v9 =	vld [tilespmem:$0x60]  }
0xe: {  	v11 =	vld [tilespmem:$0x30]  }
0xf: {  	v12 =	vld [tilespmem:$0x0]  }
0x10: {  	v10 =	vlaneseq.u32;
	s7 =	sshrl.u32 s0, $0x3;
	s11 =	sshll.u32 s6, $0x8;
	v13 =	vld [tilespmem:$0x20]  }
0x11: {  	v0 =	vmov s7;
	v1 =	vor.u32 s11, v10;
	s6 =	sor.u32 $0x10, s11;
	s20 =	sor.u32 $0x20, s11;
	s12 =	sor.u32 $0x30, s11;
	v17 =	vld [tilespmem:$0x10]  }
0x12: {  	s21 =	sor.u32 $0x40, s11;
	s22 =	sor.u32 $0x60, s11;
	s23 =	sor.u32 $0x70, s11;
	v2 =	vor.u32 s6, v10;
	v3 =	vor.u32 s20, v10;
	v4 =	vor.u32 s12, v10  }
0x13: {  	v5 =	vor.u32 s21, v10;
	v6 =	vor.u32 s22, v10;
	v7 =	vor.u32 s23, v10  }
0x14: {  	v14 =	vadd.s32 $0xFFFFFFFF, v8;
	v15 =	vadd.s32 $0xC9, v8;
	v16 =	vadd.s32 $0xFFFFFFFF, v9  }
0x15: {  	v18 =	vadd.s32 $0xC9, v9;
	v19 =	vadd.s32 $0xFFFFFFFF, v11;
	v20 =	vadd.s32 $0xC9, v13  }
0x16: {  	v21 =	vadd.s32 $0xC9, v12;
	v22 =	vadd.s32 $0xFFFFFFFF, v17;
	vm0 =	vlt.s32 v14, $0x0  }
0x17: {  	vm1 =	vlt.s32 v16, $0x0;
	vm8 =	vlt.s32 v19, $0x0;
	vm10 =	vlt.s32 v22, $0x0  }
0x18: {  	v14 =	vsel vm0, v15, v14;
	v15 =	vsel vm1, v18, v16;
	v16 =	vadd.s32 $0xC9, v11  }
0x19: {  	v18 =	vadd.s32 $0xFFFFFFFF, v12;
	v8 =	vsub.s32 v8, v14;
	v9 =	vsub.s32 v9, v15  }
0x1a: {  	v16 =	vsel vm8, v16, v19;
	vm11 =	vlt.s32 v18, $0x0;
	v8 =	vmul.u32 v0, v8  }
0x1b: {  	v9 =	vmul.u32 v0, v9;
	v11 =	vsub.s32 v11, v16;
	v18 =	vsel vm11, v21, v18  }
0x1c: {  	v19 =	vld [tilespmem:$0x40];
	v11 =	vmul.u32 v0, v11;
	v12 =	vsub.s32 v12, v18;
	v8 =	vadd.s32 v14, v8  }
0x1d: {  	v14 =	vadd.s32 $0xC9, v17;
	v9 =	vadd.s32 v15, v9;
	v15 =	vadd.s32 $0xFFFFFFFF, v13  }
0x1e: {  	v8 =	vshll.u32 v8, $0xC;
	v9 =	vshll.u32 v9, $0xC;
	vm9 =	vlt.s32 v15, $0x0  }
0x1f: {  	v14 =	vsel vm10, v14, v22;
	v11 =	vadd.s32 v16, v11;
	v15 =	vsel vm9, v20, v15;
	v20 =	vld [tilespmem:$0x50]  }
0x20: {  	v8 =	vor.u32 v7, v8;
	v9 =	vor.u32 v6, v9;
	v17 =	vsub.s32 v17, v14  }
0x21: {  	v21 =	vadd.s32 $0xC9, v19;
	v11 =	vshll.u32 v11, $0xC;
	v13 =	vsub.s32 v13, v15  }
0x22: {  	v16 =	vadd.s32 $0xFFFFFFFF, v19;
	v17 =	vmul.u32 v0, v17;
	v13 =	vmul.u32 v0, v13  }
0x23: {  	v11 =	vor.u32 v4, v11;
	vm12 =	vlt.s32 v16, $0x0;
	[tilespmem:$0x170] =	vst v8;
	v8 =	vmul.u32 v0, v12  }
0x24: {  	v16 =	vsel vm12, v21, v16;
	v13 =	vadd.s32 v15, v13;
	v15 =	vadd.s32 $0xFFFFFFFF, v20  }
0x25: {  	v14 =	vadd.s32 v14, v17;
	v17 =	vadd.s32 $0xC9, v20;
	vm13 =	vlt.s32 v15, $0x0  }
0x26: {  	v12 =	vsub.s32 v19, v16;
	v14 =	vshll.u32 v14, $0xC;
	v15 =	vsel vm13, v17, v15  }
0x27: {  	[tilespmem:$0x160] =	vst v9;
	v12 =	vmul.u32 v0, v12;
	v9 =	vor.u32 v2, v14;
	v14 =	vsub.s32 v20, v15  }
0x28: {  	[tilespmem:$0x130] =	vst v11;
	v8 =	vadd.s32 v18, v8;
	v11 =	vshll.u32 v13, $0xC;
	v13 =	vmul.u32 v0, v14  }
0x29: {  	v8 =	vshll.u32 v8, $0xC;
	[tilespmem:$0x110] =	vst v9;
	v9 =	vor.u32 v3, v11;
	v11 =	vadd.s32 v16, v12  }
0x2a: {  	s24 =	sor.u32 $0x50, s11;
	v8 =	vor.u32 v1, v8;
	[tilespmem:$0x120] =	vst v9;
	v9 =	vshll.u32 v11, $0xC;
	v11 =	vadd.s32 v15, v13  }
0x2b: {  	[tilespmem:$0x100] =	vst v8;
	v9 =	vor.u32 v5, v9;
	v14 =	vor.u32 s24, v10;
	v8 =	vshll.u32 v11, $0xC  }
0x2c: {  	s14 =	simm.s32 $0x100;
	[tilespmem:$0x140] =	vst v9;
	v8 =	vor.u32 v14, v8  }
0x2d: {  	s7 =	simm.s32 $0x80;
	s10 =	ssub.s32 $0x2, s10;
	s6 =	simm.s32 $0x200;
	[tilespmem:$0x150] =	vst v8  }
0x2e: {  	[tilespmem:s6], [sflag:$0x1] =	stream.indirect.gather [hbm4b:s2+s7], $0x80, s14, s7, $0xb8;
	[tilespmem:$0x8200] =	vst v63  }
0x2f: {  	s31 =	sshrl.u32 s10, $0x1;
	v27 =	vld [tilespmem:$0x90]  }
0x30: {  	s10 =	ssub.s32 s10, s31;
	v28 =	vld [tilespmem:$0xA0]  }
0x31: {  	s13 =	sor.u32 $0x90, s11;
	s26 =	sor.u32 $0xA0, s11;
	s15 =	sor.u32 $0xC0, s11;
	v17 =	vld [tilespmem:$0xB0]  }
0x32: {  	s28 =	sor.u32 $0xB0, s11;
	s29 =	sor.u32 $0xD0, s11;
	v16 =	vor.u32 s26, v10;
	v12 =	vor.u32 s15, v10;
	s15 =	smax.u32 s10, $0x1;
	v20 =	vld [tilespmem:$0x80]  }
0x33: {  	s25 =	sor.u32 $0x80, s11;
	s30 =	sor.u32 $0xE0, s11;
	p0 =	sne.s32 s15, $0x1;
	v9 =	vor.u32 s28, v10;
	v15 =	vor.u32 s13, v10;
	v13 =	vor.u32 s29, v10;
	v19 =	vld [tilespmem:$0xC0]  }
.Ltmp0:
0x34: {  	v11 =	vor.u32 s30, v10;
	v8 =	vor.u32 s25, v10;
	v22 =	vld [tilespmem:$0xD0];
	v21 =	vadd.s32 $0xFFFFFFFF, v27;
	(pc) =	sbr.rel @!p0 .LBB2_2-.Ltmp0, $4  }
0x35: {  	s9 =	sshll.u32 s9, $0xC;
	v18 =	vld [tilespmem:$0xE0];
	v23 =	vadd.s32 $0xC9, v27;
	v24 =	vadd.s32 $0xFFFFFFFF, v28;
	vm14 =	vlt.s32 v21, $0x0  }
0x36: {  	s8 =	sadd.s32 s8, s9;
	s11 =	sor.u32 $0xF0, s11;
	v26 =	vadd.s32 $0xC9, v28;
	vm15 =	vlt.s32 v24, $0x0;
	v25 =	vsel vm14, v23, v21;
	v21 =	vld [tilespmem:$0xF0]  }
0x37: {  	s9 =	sadd.s32 $0x800, s8;
	s12 =	simm.s32 $0x180;
	s10 =	simm.s32 $0x4200;
	v10 =	vor.u32 s11, v10;
	v26 =	vsel vm15, v26, v24;
	v23 =	vadd.s32 $0xC9, v17  }
0x38: {  	s15 =	sadd.s32 $0xFFFFFFFF, s15;
	s13 =	simm.s32 $0x1;
	s11 =	simm.s32 $0x2;
	v24 =	vadd.s32 $0xFFFFFFFF, v20;
	v27 =	vsub.s32 v27, v25;
	v28 =	vsub.s32 v28, v26  }
.LBB2_1:
0x39: {  	p0 =	sne.s32 s15, $0x1;
	s15 =	sadd.s32 $0xFFFFFFFF, s15;
	v27 =	vmul.u32 v0, v27;
	v28 =	vmul.u32 v0, v28;
	v29 =	vadd.s32 $0xC9, v22  }
0x3a: {  	v30 =	vadd.s32 $0xC9, v20;
	v31 =	vadd.s32 $0xFFFFFFFF, v19;
	v32 =	vadd.s32 $0xFFFFFFFF, v18  }
0x3b: {  	v25 =	vadd.s32 v25, v27;
	v26 =	vadd.s32 v26, v28;
	v27 =	vadd.s32 $0xC9, v21  }
0x3c: {  	v28 =	vadd.s32 $0xFFFFFFFF, v17;
	v25 =	vshll.u32 v25, $0xC;
	v26 =	vshll.u32 v26, $0xC  }
0x3d: {  	v33 =	vadd.s32 $0xFFFFFFFF, v21;
	v25 =	vor.u32 v15, v25;
	v26 =	vor.u32 v16, v26  }
0x3e: {  	vm0 =	vlt.s32 v24, $0x0;
	vm1 =	vlt.s32 v33, $0x0;
	[tilespmem:$0x190] =	vst v25;
	v25 =	vadd.s32 $0xFFFFFFFF, v22  }
0x3f: {  	v24 =	vsel vm0, v30, v24;
	v30 =	vadd.s32 $0xC9, v18;
	vm0 =	vlt.s32 v25, $0x0  }
0x40: {  	v34 =	vadd.s32 $0xC9, v19;
	vm2 =	vlt.s32 v31, $0x0;
	v25 =	vsel vm0, v29, v25  }
0x41: {  	vm0 =	vlt.s32 v28, $0x0;
	v29 =	vsel vm2, v34, v31;
	v22 =	vsub.s32 v22, v25  }
0x42: {  	v20 =	vsub.s32 v20, v24;
	vm2 =	vlt.s32 v32, $0x0;
	v22 =	vmul.u32 v0, v22  }
0x43: {  	v20 =	vmul.u32 v0, v20;
	v23 =	vsel vm0, v23, v28;
	v28 =	vsel vm2, v30, v32  }
0x44: {  	v19 =	vsub.s32 v19, v29;
	v22 =	vadd.s32 v25, v22;
	v25 =	vsel vm1, v27, v33  }
0x45: {  	v20 =	vadd.s32 v24, v20;
	v19 =	vmul.u32 v0, v19;
	[tilespmem:$0x1A0] =	vst v26;
	v22 =	vshll.u32 v22, $0xC  }
0x46: {  	v17 =	vsub.s32 v17, v23;
	v21 =	vsub.s32 v21, v25;
	v22 =	vor.u32 v13, v22  }
0x47: {  	v20 =	vshll.u32 v20, $0xC;
	v18 =	vsub.s32 v18, v28;
	v19 =	vadd.s32 v29, v19  }
0x48: {  	v17 =	vmul.u32 v0, v17;
	v18 =	vmul.u32 v0, v18;
	v19 =	vshll.u32 v19, $0xC;
	[tilespmem:$0x1D0] =	vst v22  }
0x49: {  	v20 =	vor.u32 v8, v20;
	v19 =	vor.u32 v12, v19;
	v21 =	vmul.u32 v0, v21  }
0x4a: {  	v17 =	vadd.s32 v23, v17;
	v18 =	vadd.s32 v28, v18;
	[tilespmem:$0x1C0] =	vst v19  }
0x4b: {  	v17 =	vshll.u32 v17, $0xC;
	v18 =	vshll.u32 v18, $0xC;
	v19 =	vadd.s32 v25, v21  }
0x4c: {  	v17 =	vor.u32 v9, v17;
	v18 =	vor.u32 v11, v18;
	v19 =	vshll.u32 v19, $0xC;
	[tilespmem:$0x180] =	vst v20  }
0x4d: {  	[tilespmem:$0x1B0] =	vst v17;
	v17 =	vor.u32 v10, v19  }
0x4e: {  	[tilespmem:$0x1E0] =	vst v18;
	_ =	sdelay $0x1  }
0x4f: {  	[tilespmem:$0x1F0] =	vst v17  }
0x50: {  	[tilespmem:s10], [sflag:$0x1] =	stream.indirect.gather [hbm4b:s2+s7], $0x80, s12, s7, $0xb8;
	[tilespmem:$0x8200] =	vst v63  }
0x51: {  	_ =	swait.ge [sflag:s13], $0x4000  }
0x52: {  	[sflag:s13] =	ssyncset.done $0x0  }
0x53: {  	[sflag:s13] =	ssyncadd.s32 $0xFFFFC000  }
0x54: {  	[hbm4b:s8+s3] =	stream.linear.scatter [tilespmem:s6], [sflag:$0x2], $0x4000, $0x38;
	[tilespmem:$0x8200] =	vst v63  }
0x55: {  	_ =	swait.ge [sflag:s13], $0x4000  }
0x56: {  	[sflag:s13] =	ssyncset.done $0x0  }
0x57: {  	[sflag:s13] =	ssyncadd.s32 $0xFFFFC000  }
0x58: {  	[hbm4b:s9+s3] =	stream.linear.scatter [tilespmem:s10], [sflag:$0x2], $0x4000, $0x38;
	[tilespmem:$0x8200] =	vst v63  }
0x59: {  	_ =	swait.ge [sflag:s11], $0x4000  }
0x5a: {  	[sflag:s11] =	ssyncset.done $0x0  }
0x5b: {  	[sflag:s11] =	ssyncadd.s32 $0xFFFFC000  }
0x5c: {  	_ =	swait.ge [sflag:s11], $0x4000  }
0x5d: {  	[sflag:s11] =	ssyncset.done $0x0  }
0x5e: {  	[sflag:s11] =	ssyncadd.s32 $0xFFFFC000  }
0x5f: {  	[tilespmem:s3], [sflag:$0x3] =	stream.linear.gather [hbm4b:s4+s3], $0x100, $0x38;
	[tilespmem:$0x8200] =	vst v63  }
0x60: {  	_ =	swait.ge [sflag:s5], $0x100  }
0x61: {  	[sflag:s5] =	ssyncset.done $0x0  }
0x62: {  	[sflag:s5] =	ssyncadd.s32 $0xFFFFFF00  }
0x63: {  	v17 =	vld [tilespmem:$0x70]  }
0x64: {  	v18 =	vld [tilespmem:$0x60]  }
0x65: {  	v19 =	vld [tilespmem:$0x30]  }
0x66: {  	v20 =	vld [tilespmem:$0x0];
	_ =	sdelay $0x1  }
0x67: {  	v21 =	vld [tilespmem:$0x20];
	v22 =	vadd.s32 $0xFFFFFFFF, v17;
	v23 =	vadd.s32 $0xC9, v17  }
0x68: {  	v24 =	vld [tilespmem:$0x10];
	v25 =	vadd.s32 $0xFFFFFFFF, v18;
	v26 =	vadd.s32 $0xC9, v18;
	vm0 =	vlt.s32 v22, $0x0  }
0x69: {  	v27 =	vadd.s32 $0xFFFFFFFF, v19;
	vm1 =	vlt.s32 v25, $0x0;
	v22 =	vsel vm0, v23, v22  }
0x6a: {  	vm0 =	vlt.s32 v27, $0x0;
	v23 =	vsel vm1, v26, v25;
	v17 =	vsub.s32 v17, v22  }
0x6b: {  	v25 =	vadd.s32 $0xC9, v19;
	v18 =	vsub.s32 v18, v23;
	v17 =	vmul.u32 v0, v17  }
0x6c: {  	v26 =	vadd.s32 $0xFFFFFFFF, v20;
	v28 =	vadd.s32 $0xC9, v21;
	v18 =	vmul.u32 v0, v18  }
0x6d: {  	v29 =	vadd.s32 $0xC9, v20;
	v25 =	vsel vm0, v25, v27;
	v17 =	vadd.s32 v22, v17  }
0x6e: {  	v22 =	vadd.s32 $0xC9, v24;
	v27 =	vld [tilespmem:$0x40];
	v18 =	vadd.s32 v23, v18;
	v17 =	vshll.u32 v17, $0xC  }
0x6f: {  	v23 =	vadd.s32 $0xFFFFFFFF, v21;
	v18 =	vshll.u32 v18, $0xC;
	v17 =	vor.u32 v7, v17  }
0x70: {  	v30 =	vadd.s32 $0xFFFFFFFF, v24;
	vm0 =	vlt.s32 v23, $0x0;
	v18 =	vor.u32 v6, v18;
	[tilespmem:$0x170] =	vst v17  }
0x71: {  	v19 =	vsub.s32 v19, v25;
	vm1 =	vlt.s32 v30, $0x0;
	v17 =	vsel vm0, v28, v23  }
0x72: {  	v19 =	vmul.u32 v0, v19;
	v22 =	vsel vm1, v22, v30;
	vm0 =	vlt.s32 v26, $0x0;
	v23 =	vld [tilespmem:$0x50];
	[tilespmem:$0x160] =	vst v18  }
0x73: {  	v21 =	vsub.s32 v21, v17;
	v18 =	vsub.s32 v24, v22;
	v24 =	vadd.s32 $0xC9, v27  }
0x74: {  	v19 =	vadd.s32 v25, v19;
	v26 =	vsel vm0, v29, v26;
	v18 =	vmul.u32 v0, v18  }
0x75: {  	v19 =	vshll.u32 v19, $0xC;
	v20 =	vsub.s32 v20, v26;
	v21 =	vmul.u32 v0, v21  }
0x76: {  	v19 =	vor.u32 v4, v19;
	v18 =	vadd.s32 v22, v18;
	v22 =	vadd.s32 $0xFFFFFFFF, v27  }
0x77: {  	v17 =	vadd.s32 v17, v21;
	v18 =	vshll.u32 v18, $0xC;
	vm0 =	vlt.s32 v22, $0x0;
	[tilespmem:$0x130] =	vst v19  }
0x78: {  	v17 =	vshll.u32 v17, $0xC;
	v18 =	vor.u32 v2, v18;
	v19 =	vsel vm0, v24, v22  }
0x79: {  	v20 =	vmul.u32 v0, v20;
	v17 =	vor.u32 v3, v17;
	[tilespmem:$0x110] =	vst v18;
	v18 =	vsub.s32 v27, v19  }
0x7a: {  	[tilespmem:$0x120] =	vst v17;
	v17 =	vmul.u32 v0, v18;
	v18 =	vadd.s32 $0xFFFFFFFF, v23  }
0x7b: {  	v20 =	vadd.s32 v26, v20;
	v21 =	vadd.s32 $0xC9, v23;
	vm0 =	vlt.s32 v18, $0x0  }
0x7c: {  	v20 =	vshll.u32 v20, $0xC;
	v17 =	vadd.s32 v19, v17;
	v18 =	vsel vm0, v21, v18  }
0x7d: {  	v19 =	vor.u32 v1, v20;
	v17 =	vshll.u32 v17, $0xC;
	v20 =	vsub.s32 v23, v18  }
0x7e: {  	v17 =	vor.u32 v5, v17;
	v20 =	vmul.u32 v0, v20  }
0x7f: {  	[tilespmem:$0x100] =	vst v19  }
0x80: {  	[tilespmem:$0x140] =	vst v17;
	v17 =	vadd.s32 v18, v20  }
0x81: {  	v17 =	vshll.u32 v17, $0xC  }
0x82: {  	v17 =	vor.u32 v14, v17  }
0x83: {  	[tilespmem:$0x150] =	vst v17  }
0x84: {  	[tilespmem:s6], [sflag:$0x1] =	stream.indirect.gather [hbm4b:s2+s7], $0x80, s14, s7, $0xb8;
	[tilespmem:$0x8200] =	vst v63  }
0x85: {  	v27 =	vld [tilespmem:$0x90]  }
0x86: {  	v28 =	vld [tilespmem:$0xA0]  }
0x87: {  	v20 =	vld [tilespmem:$0x80]  }
0x88: {  	v17 =	vld [tilespmem:$0xB0]  }
0x89: {  	v19 =	vld [tilespmem:$0xC0]  }
.Ltmp1:
0x8a: {  	v22 =	vld [tilespmem:$0xD0];
	(pc) =	sbr.rel @p0 .LBB2_1-.Ltmp1, $4  }
0x8b: {  	v23 =	vadd.s32 $0xFFFFFFFF, v27;
	v24 =	vadd.s32 $0xC9, v27;
	v26 =	vadd.s32 $0xFFFFFFFF, v28;
	v18 =	vld [tilespmem:$0xE0]  }
0x8c: {  	vm0 =	vlt.s32 v23, $0x0;
	v29 =	vadd.s32 $0xC9, v28;
	vm1 =	vlt.s32 v26, $0x0;
	v21 =	vld [tilespmem:$0xF0]  }
0x8d: {  	v25 =	vsel vm0, v24, v23;
	v26 =	vsel vm1, v29, v26;
	v23 =	vadd.s32 $0xC9, v17  }
0x8e: {  	v24 =	vadd.s32 $0xFFFFFFFF, v20;
	v27 =	vsub.s32 v27, v25;
	v28 =	vsub.s32 v28, v26  }
.LBB2_2:
0x8f: {  	v1 =	vmul.u32 v0, v27;
	v2 =	vmul.u32 v0, v28;
	v3 =	vadd.s32 $0xC9, v22  }
0x90: {  	v4 =	vadd.s32 $0xC9, v20;
	v5 =	vadd.s32 $0xFFFFFFFF, v19;
	v14 =	vadd.s32 $0xFFFFFFFF, v17  }
0x91: {  	vm0 =	vlt.s32 v24, $0x0;
	v46 =	vadd.s32 $0xFFFFFFFF, v22;
	v48 =	vadd.s32 $0xC9, v19  }
0x92: {  	v6 =	vadd.s32 $0xFFFFFFFF, v18;
	v4 =	vsel vm0, v4, v24;
	vm13 =	vlt.s32 v46, $0x0  }
0x93: {  	v47 =	vadd.s32 $0xC9, v18;
	vm2 =	vlt.s32 v5, $0x0;
	vm14 =	vlt.s32 v14, $0x0  }
0x94: {  	v1 =	vadd.s32 v25, v1;
	v2 =	vadd.s32 v26, v2;
	v7 =	vadd.s32 $0xC9, v21  }
0x95: {  	v45 =	vadd.s32 $0xFFFFFFFF, v21;
	v3 =	vsel vm13, v3, v46;
	v5 =	vsel vm2, v48, v5  }
0x96: {  	v50 =	vsub.s32 v20, v4;
	vm15 =	vlt.s32 v6, $0x0;
	v14 =	vsel vm14, v23, v14  }
0x97: {  	v1 =	vshll.u32 v1, $0xC;
	v2 =	vshll.u32 v2, $0xC;
	vm1 =	vlt.s32 v45, $0x0  }
0x98: {  	v49 =	vsub.s32 v22, v3;
	v20 =	vmul.u32 v0, v50;
	v6 =	vsel vm15, v47, v6  }
0x99: {  	v51 =	vsub.s32 v19, v5;
	v53 =	vsub.s32 v17, v14;
	v1 =	vor.u32 v15, v1  }
0x9a: {  	v2 =	vor.u32 v16, v2;
	v16 =	vmul.u32 v0, v49;
	v7 =	vsel vm1, v7, v45  }
0x9b: {  	v52 =	vmul.u32 v0, v51;
	v56 =	vsub.s32 v18, v6;
	v57 =	vmul.u32 v0, v53  }
0x9c: {  	v4 =	vadd.s32 v4, v20;
	v54 =	vsub.s32 v21, v7;
	v59 =	vmul.u32 v0, v56  }
0x9d: {  	[tilespmem:$0x190] =	vst v1;
	v3 =	vadd.s32 v3, v16;
	v55 =	vadd.s32 v5, v52;
	v58 =	vshll.u32 v4, $0xC  }
0x9e: {  	[tilespmem:$0x1A0] =	vst v2;
	v60 =	vmul.u32 v0, v54;
	v3 =	vshll.u32 v3, $0xC;
	v2 =	vor.u32 v8, v58  }
0x9f: {  	v61 =	vadd.s32 v14, v57;
	v1 =	vshll.u32 v55, $0xC;
	v3 =	vor.u32 v13, v3;
	[tilespmem:$0x180] =	vst v2  }
0xa0: {  	v62 =	vadd.s32 v6, v59;
	v1 =	vor.u32 v12, v1;
	[tilespmem:$0x1D0] =	vst v3;
	v3 =	vshll.u32 v61, $0xC  }
0xa1: {  	v0 =	vadd.s32 v7, v60;
	[tilespmem:$0x1C0] =	vst v1;
	v1 =	vshll.u32 v62, $0xC;
	v63 =	vor.u32 v9, v3  }
0xa2: {  	v0 =	vshll.u32 v0, $0xC;
	v1 =	vor.u32 v11, v1;
	[tilespmem:$0x1B0] =	vst v63  }
0xa3: {  	v0 =	vor.u32 v10, v0;
	[tilespmem:$0x1E0] =	vst v1  }
0xa4: {  	[tilespmem:$0x1F0] =	vst v0  }
0xa5: {  	[tilespmem:s10], [sflag:$0x1] =	stream.indirect.gather [hbm4b:s2+s7], $0x80, s12, s7, $0xb8;
	[tilespmem:$0x8200] =	vst v63  }
0xa6: {  	_ =	swait.ge [sflag:s13], $0x4000  }
0xa7: {  	[sflag:s13] =	ssyncset.done $0x0  }
0xa8: {  	[sflag:s13] =	ssyncadd.s32 $0xFFFFC000  }
0xa9: {  	[hbm4b:s8+s3] =	stream.linear.scatter [tilespmem:s6], [sflag:$0x2], $0x4000, $0x38;
	[tilespmem:$0x8200] =	vst v63  }
0xaa: {  	_ =	swait.ge [sflag:s13], $0x4000  }
0xab: {  	[sflag:s13] =	ssyncset.done $0x0  }
0xac: {  	[sflag:s13] =	ssyncadd.s32 $0xFFFFC000  }
0xad: {  	[hbm4b:s9+s3] =	stream.linear.scatter [tilespmem:s10], [sflag:$0x2], $0x4000, $0x38;
	[tilespmem:$0x8200] =	vst v63  }
0xae: {  	_ =	swait.ge [sflag:s11], $0x4000  }
0xaf: {  	[sflag:s11] =	ssyncset.done $0x0  }
0xb0: {  	[sflag:s11] =	ssyncadd.s32 $0xFFFFC000  }
0xb1: {  	_ =	swait.ge [sflag:s11], $0x4000  }
0xb2: {  	[sflag:s11] =	ssyncset.done $0x0  }
0xb3: {  	[sflag:s11] =	ssyncadd.s32 $0xFFFFC000  }
0xb4: {  	_ =	sfence.sel $0x180000  }
0xb5: {  	[bflag:$0x0] =	sbarrier.arrive $0xFFFF  }
0xb6: {  	p0 =	sne.s32 s0, $0x0;
	_ =	strace $0x90000047  }
0xb7: {  	s0 =	sadd.s32 @!p0 $0x100000, s1;
	[bflag:$0x2] =	sbarrier.arrive $0xFFFF  }
0xb8: {  	[sflag:s0] =	ssyncadd.tile.s32 @!p0 $0x1;
	_ =	shalt  }
.Lfunc_end2:
_tile_overlayer_lowered:
.L_overlay_start_2:
0xb9: {  	(tag) =	ssettag $0x2  }
0xba: {  	s0 =	rddreg [dreg:$0x0];
	s2 =	stileid.u32  }
0xbb: {  	s1 =	rddreg [dreg:$0x1];
	p0 =	sne.s32 s2, $0x0  }
0xbc: {  	s3 =	rddreg [dreg:$0x2];
	[bflag:$0x3] =	sbarrier.arrive $0xFFFF;
	s2 =	simm.s32 @!p0 $0x1C03  }
0xbd: {  	[timem:s3], [sflag:s2] =	dma.local @!p0 [hbm:s0], s1  }
0xbe: {  	s0 =	simm.s32 @!p0 $0x3  }
0xbf: {  	_ =	swait.ge @!p0 [sflag:s0], s1  }
0xc0: {  	s1 =	ssub.s32 @!p0 $0x0, s1;
	[sflag:s0] =	ssyncset.done @!p0 $0x0  }
0xc1: {  	[sflag:s0] =	ssyncadd.s32 @!p0 s1  }
0xc2: {  	[bflag:$0x3] =	sbarrier.arrive $0xFFFF  }
0xc3: {  	_ =	shalt  }

</sc_bundles>
